<compile_context>
chip_gen: v7x
topology: tpu7x:2x2x1
jax: 0.10.2.dev20260603
libtpu: 0.0.44.dev20260713+nightly
codegen_flags: <defaults>
</compile_context>

<pallas_src>
import jax
import jax.numpy as jnp
from jax import lax
from jax.experimental import pallas as pl
from jax.experimental.pallas import tpu as pltpu
from jax.experimental.pallas import tpu_sc as plsc

D_A = 64
K_CLIP = 64
L_Q = 2048
L_K = 2048

_INFO = plsc.get_sparse_core_info()
NC = _INFO.num_cores
NS = _INFO.num_subcores
LANES = _INFO.num_lanes
DT = D_A // 8
JT = L_K // 128
PHASES = 128
M_PER_PHASE = (L_Q // NC) // PHASES
KTILES = M_PER_PHASE - 1 + JT
N_DTQ = 4
PG = NS // N_DTQ
PHI_PER_SUB = PHASES // PG
EXT_W = 224
EXT_LO = 32
EXT_MAX = EXT_W - LANES


def _sc_body(ext_hbm, delta_hbm, out_hbm, ts_spmem, buf_v, ext_v, delta_v, sem):
    cid = lax.axis_index("c")
    sid = lax.axis_index("s")
    pltpu.sync_copy(delta_hbm, delta_v)
    dsc = delta_v[...][0]
    pltpu.sync_copy(ext_hbm, ext_v)
    pg = sid // N_DTQ
    dtq = sid % N_DTQ
    core_w0 = (1 - cid) * (L_Q // NC)
    p_off = dsc - (L_Q - 1 - K_CLIP) + EXT_LO

    def drain_emits():
        for _ in range(2 * M_PER_PHASE):
            pltpu.make_async_copy(
                ts_spmem.at[sid, 0, pl.ds(0, JT)], out_hbm.at[0, 0], sem
            ).wait()

    def unit_body(u, _):
        phi = pg * PHI_PER_SUB + u
        v_base = core_w0 + phi

        def k_body(k, _):
            def dp_body(dp, _):
                for dt2 in range(2):
                    d = dtq * 16 + dt2 * 8 + dp
                    for ch in range(128 // LANES):
                        t0 = v_base + k * 128 + ch * LANES
                        p0 = jnp.clip(t0 + p_off, 0, EXT_MAX)
                        buf_v[dt2, k, dp, pl.ds(ch * LANES, LANES)] = (
                            ext_v[d, pl.ds(p0, LANES)]
                        )
                return 0
            lax.fori_loop(0, 8, dp_body, 0)
            return 0
        lax.fori_loop(0, KTILES, k_body, 0)

        @pl.when(u > 0)
        def _():
            drain_emits()

        pltpu.sync_copy(buf_v, ts_spmem.at[sid])

        def m_body(m, _):
            i = (L_Q - 1) - (v_base + PHASES * m)
            for dt2 in range(2):
                pltpu.async_copy(
                    ts_spmem.at[sid, dt2, pl.ds(m, JT)],
                    out_hbm.at[i, dtq * 2 + dt2],
                    sem,
                )
            return 0
        lax.fori_loop(0, M_PER_PHASE, m_body, 0)
        return 0

    lax.fori_loop(0, PHI_PER_SUB, unit_body, 0)
    drain_emits()


def kernel(length_query, length_key, position_embeddings):
    table = position_embeddings.astype(jnp.float32)
    lo = table[0][:, None]
    hi = table[2 * K_CLIP][:, None]
    ext = jnp.concatenate(
        [
            jnp.tile(lo, (1, EXT_LO)),
            table.T,
            jnp.tile(hi, (1, EXT_W - EXT_LO - (2 * K_CLIP + 1))),
        ],
        axis=1,
    )
    delta = jnp.full(
        (LANES,),
        jnp.asarray(length_key, jnp.int32) - jnp.asarray(length_query, jnp.int32),
        jnp.int32,
    )
    run = pl.kernel(
        _sc_body,
        out_type=jax.ShapeDtypeStruct((L_Q, DT, JT, 8, 128), jnp.float32),
        mesh=plsc.VectorSubcoreMesh(core_axis_name="c", subcore_axis_name="s"),
        scratch_types=[
            pltpu.VMEM_SHARED((NS, 2, KTILES, 8, 128), jnp.float32),
            pltpu.VMEM((2, KTILES, 8, 128), jnp.float32),
            pltpu.VMEM((D_A, EXT_W), jnp.float32),
            pltpu.VMEM((LANES,), jnp.int32),
            pltpu.SemaphoreType.DMA,
        ],
        compiler_params=pltpu.CompilerParams(use_tc_tiling_on_sc=False),
    )
    tiled = run(ext, delta)
    return tiled.transpose(0, 2, 4, 1, 3).reshape(L_Q, L_K, D_A)

# --- scband reference (transcript-rebuilt; emitter-appended) ---
"""Pipeline reference for scband-relative-position-12558484374209 (READ-ONLY COPY).

The authoritative reference and input builder live on the scoring server;
editing this copy changes nothing except your own understanding.
"""

import jax, jax.numpy as jnp
import numpy as np

D_A = 64
K_CLIP = 64


def _xavier_uniform(key, shape):
    fan_in, fan_out = shape[1], shape[0]
    limit = float(np.sqrt(6.0 / (fan_in + fan_out)))
    return jax.random.uniform(key, shape, dtype=jnp.float32, minval=-limit, maxval=limit)


def setup_inputs(seed: int = 0) -> dict:
    key = jax.random.key(seed)
    table = _xavier_uniform(key, (2 * K_CLIP + 1, D_A))
    return {
        "length_query": 2048,
        "length_key": 2048,
        "position_embeddings": table,
    }


def reference(length_query, length_key, position_embeddings):
    k_clip = (position_embeddings.shape[0] - 1) // 2
    length_query_static = 2048
    length_key_static = 2048
    indices_query = jnp.arange(length_query_static) + (length_query - length_query_static)
    indices_key = jnp.arange(length_key_static) + (length_key - length_key_static)
    distance_matrix = indices_key[None, :] - indices_query[:, None]
    distance_matrix_clipped = jnp.clip(distance_matrix, -k_clip, k_clip)
    final_matrix = (distance_matrix_clipped + k_clip).astype(jnp.int32)
    embeddings = jnp.take(position_embeddings, final_matrix, axis=0)
    return embeddings

if __name__ == "__main__":
    import jax
    _d = setup_inputs()
    print(jax.jit(kernel)(*tuple(_d.values())))

</pallas_src>

<mosaic_0001>
#map = affine_map<(d0, d1) -> (0, 0)>
#map1 = affine_map<(d0, d1) -> (0)>
#map2 = affine_map<(d0, d1) -> (0, 0, 0, 0, 0)>
module attributes {stable_mosaic.version = 14 : i64} {
  func.func @_sc_body(%arg0: i32, %arg1: i32, %arg2: memref<64x224xf32, #tpu.memory_space<hbm>>, %arg3: memref<16xi32, #tpu.memory_space<hbm>>, %arg4: memref<2048x8x16x8x128xf32, #tpu.memory_space<hbm>>, %arg5: memref<16x2x23x8x128xf32, #tpu.memory_space<vmem_shared>>, %arg6: memref<2x23x8x128xf32, #tpu.memory_space<vmem>>, %arg7: memref<64x224xf32, #tpu.memory_space<vmem>>, %arg8: memref<16xi32, #tpu.memory_space<vmem>>, %arg9: memref<!tpu.dma_semaphore, #tpu.memory_space<semaphore_mem>>) attributes {dimension_semantics = [#tpu.dimension_semantics<core_parallel>, #tpu.dimension_semantics<subcore_parallel>], iteration_bounds = array<i64: 2, 16>, scalar_prefetch = 0 : i64, scratch_operands = 5 : i64, tpu.core_type = #tpu.core_type<sc_vector_subcore>, window_params = [{transform_indices = #map}, {transform_indices = #map1}, {transform_indices = #map2}]} {
    "tpu.region"() ({
      %run_scoped3A = tpu.sem_alloc : memref<!tpu.dma_semaphore, #tpu.memory_space<semaphore_mem>>
      tpu.enqueue_dma source(%arg3 : memref<16xi32, #tpu.memory_space<hbm>>) target(%arg8 : memref<16xi32, #tpu.memory_space<vmem>>) target_semaphore(%run_scoped3A : memref<!tpu.dma_semaphore, #tpu.memory_space<semaphore_mem>>)
      tpu.wait_dma2 semaphore(%run_scoped3A : memref<!tpu.dma_semaphore, #tpu.memory_space<semaphore_mem>>) src(%arg3 : memref<16xi32, #tpu.memory_space<hbm>>) dst(%arg8 : memref<16xi32, #tpu.memory_space<vmem>>)
      tpu.yield
    }) : () -> ()
    %get3A = arith.constant 0 : index
    %get3A_0 = tpu.vector_load %arg8[%get3A] {strides = array<i32>} : memref<16xi32, #tpu.memory_space<vmem>>, vector<16xi32>,
    %get3A_1 = vector.shape_cast %get3A_0 : vector<16xi32> to vector<16xi32>
    %slice3A = vector.extract_strided_slice %get3A_1 {offsets = [0], sizes = [1], strides = [1]} : vector<16xi32> to vector<1xi32>
    %squeeze3A = vector.extract %slice3A[0] : i32 from vector<1xi32>
    "tpu.region"() ({
      %run_scoped3A = tpu.sem_alloc : memref<!tpu.dma_semaphore, #tpu.memory_space<semaphore_mem>>
      tpu.enqueue_dma source(%arg2 : memref<64x224xf32, #tpu.memory_space<hbm>>) target(%arg7 : memref<64x224xf32, #tpu.memory_space<vmem>>) target_semaphore(%run_scoped3A : memref<!tpu.dma_semaphore, #tpu.memory_space<semaphore_mem>>)
      tpu.wait_dma2 semaphore(%run_scoped3A : memref<!tpu.dma_semaphore, #tpu.memory_space<semaphore_mem>>) src(%arg2 : memref<64x224xf32, #tpu.memory_space<hbm>>) dst(%arg7 : memref<64x224xf32, #tpu.memory_space<vmem>>)
      tpu.yield
    }) : () -> ()
    %jit3A = arith.constant 4 : i32
    %div3A = arith.divsi %arg1, %jit3A : i32
    %sign3A = arith.constant 0 : i32
    %sign3A_2 = arith.cmpi sgt, %arg1, %sign3A : i32
    %sign3A_3 = arith.extui %sign3A_2 : i1 to i32
    %sign3A_4 = arith.constant 0 : i32
    %sign3A_5 = arith.cmpi slt, %arg1, %sign3A_4 : i32
    %sign3A_6 = arith.extui %sign3A_5 : i1 to i32
    %sign3A_7 = arith.subi %sign3A_3, %sign3A_6 : i32
    %sign3A_8 = arith.constant 0 : i32
    %sign3A_9 = arith.cmpi sgt, %jit3A, %sign3A_8 : i32
    %sign3A_10 = arith.extui %sign3A_9 : i1 to i32
    %sign3A_11 = arith.constant 0 : i32
    %sign3A_12 = arith.cmpi slt, %jit3A, %sign3A_11 : i32
    %sign3A_13 = arith.extui %sign3A_12 : i1 to i32
    %sign3A_14 = arith.subi %sign3A_10, %sign3A_13 : i32
    %ne3A = arith.cmpi ne, %sign3A_7, %sign3A_14 : i32
    %rem3A = arith.remsi %arg1, %jit3A : i32
    %ne3A_15 = arith.constant 0 : i32
    %ne3A_16 = arith.cmpi ne, %rem3A, %ne3A_15 : i32
    %and3A = arith.andi %ne3A, %ne3A_16 : i1
    %sub3A = arith.constant 1 : i32
    %sub3A_17 = arith.subi %div3A, %sub3A : i32
    %select_n3A = arith.select %and3A, %sub3A_17, %div3A : i32
    %jit3A_18 = arith.constant 4 : i32
    %eq3A = arith.constant 0 : i32
    %eq3A_19 = arith.cmpi eq, %jit3A_18, %eq3A : i32
    %jit3A_20 = arith.constant 1 : i32
    %select_n3A_21 = arith.select %eq3A_19, %jit3A_20, %jit3A_18 : i32
    %rem3A_22 = arith.remsi %arg1, %select_n3A_21 : i32
    %ne3A_23 = arith.constant 0 : i32
    %ne3A_24 = arith.cmpi ne, %rem3A_22, %ne3A_23 : i32
    %lt3A = arith.constant 0 : i32
    %lt3A_25 = arith.cmpi slt, %rem3A_22, %lt3A : i32
    %lt3A_26 = arith.constant 0 : i32
    %lt3A_27 = arith.cmpi slt, %select_n3A_21, %lt3A_26 : i32
    %ne3A_28 = arith.xori %lt3A_25, %lt3A_27 : i1
    %and3A_29 = arith.andi %ne3A_28, %ne3A_24 : i1
    %add3A = arith.addi %rem3A_22, %select_n3A_21 : i32
    %select_n3A_30 = arith.select %and3A_29, %add3A, %rem3A_22 : i32
    %sub3A_31 = arith.constant 1 : i32
    %sub3A_32 = arith.subi %sub3A_31, %arg0 : i32
    %mul3A = arith.constant 1024 : i32
    %mul3A_33 = arith.muli %sub3A_32, %mul3A : i32
    %sub3A_34 = arith.constant 1983 : i32
    %sub3A_35 = arith.subi %squeeze3A, %sub3A_34 : i32
    %add3A_36 = arith.constant 32 : i32
    %add3A_37 = arith.addi %sub3A_35, %add3A_36 : i32
    %scan3A = arith.constant 0 : i32
    %scan3A_38 = arith.constant 0 : i32
    %scan3A_39 = arith.constant 32 : i32
    %scan3A_40 = arith.addi %scan3A_38, %scan3A_39 : i32
    %scan3A_41 = arith.constant 1 : i32
    %scan3A_42 = scf.for %scan3A_251 = %scan3A_38 to %scan3A_40 step %scan3A_41 iter_args(%scan3A_252 = %scan3A) -> (i32)  : i32 {
      %mul3A_253 = arith.constant 32 : i32
      %mul3A_254 = arith.muli %select_n3A, %mul3A_253 : i32
      %add3A_255 = arith.addi %mul3A_254, %scan3A_251 : i32
      %add3A_256 = arith.addi %mul3A_33, %add3A_255 : i32
      %scan3A_257 = arith.constant 0 : i32
      %scan3A_258 = arith.constant 0 : i32
      %scan3A_259 = arith.constant 23 : i32
      %scan3A_260 = arith.addi %scan3A_258, %scan3A_259 : i32
      %scan3A_261 = arith.constant 1 : i32
      %scan3A_262 = scf.for %scan3A_274 = %scan3A_258 to %scan3A_260 step %scan3A_261 iter_args(%scan3A_275 = %scan3A_257) -> (i32)  : i32 {
        %scan3A_276 = arith.constant 0 : i32
        %scan3A_277 = arith.constant 0 : i32
        %scan3A_278 = arith.constant 8 : i32
        %scan3A_279 = arith.addi %scan3A_277, %scan3A_278 : i32
        %scan3A_280 = arith.constant 1 : i32
        %scan3A_281 = scf.for %scan3A_284 = %scan3A_277 to %scan3A_279 step %scan3A_280 iter_args(%scan3A_285 = %scan3A_276) -> (i32)  : i32 {
          %mul3A_286 = arith.constant 16 : i32
          %mul3A_287 = arith.muli %select_n3A_30, %mul3A_286 : i32
          %add3A_288 = arith.constant 0 : i32
          %add3A_289 = arith.addi %mul3A_287, %add3A_288 : i32
          %add3A_290 = arith.addi %add3A_289, %scan3A_284 : i32
          %mul3A_291 = arith.constant 128 : i32
          %mul3A_292 = arith.muli %scan3A_274, %mul3A_291 : i32
          %add3A_293 = arith.addi %add3A_256, %mul3A_292 : i32
          %add3A_294 = arith.constant 0 : i32
          %add3A_295 = arith.addi %add3A_293, %add3A_294 : i32
          %add3A_296 = arith.addi %add3A_295, %add3A_37 : i32
          %jit3A_297 = arith.constant 0 : i32
          %jit3A_298 = arith.constant 208 : i32
          %max3A = arith.maxsi %jit3A_297, %add3A_296 : i32
          %min3A = arith.minsi %jit3A_298, %max3A : i32
          %get3A_299 = arith.index_cast %add3A_290 : i32 to index
          %get3A_300 = arith.index_cast %min3A : i32 to index
          %get3A_301 = tpu.vector_load %arg7[%get3A_299, %get3A_300] {strides = array<i32>} : memref<64x224xf32, #tpu.memory_space<vmem>>, vector<1x16xf32>,
          %get3A_302 = vector.shape_cast %get3A_301 : vector<1x16xf32> to vector<16xf32>
          %swap3A = arith.constant 0 : i32
          %swap3A_303 = arith.index_cast %swap3A : i32 to index
          %swap3A_304 = arith.index_cast %scan3A_274 : i32 to index
          %swap3A_305 = arith.index_cast %scan3A_284 : i32 to index
          %swap3A_306 = arith.constant 0 : index
          %swap3A_307 = tpu.vector_load %arg6[%swap3A_303, %swap3A_304, %swap3A_305, %swap3A_306] {strides = array<i32>} : memref<2x23x8x128xf32, #tpu.memory_space<vmem>>, vector<1x1x1x16xf32>,
          %swap3A_308 = vector.shape_cast %swap3A_307 : vector<1x1x1x16xf32> to vector<16xf32>
          %swap3A_309 = vector.shape_cast %get3A_302 : vector<16xf32> to vector<1x1x1x16xf32>
          tpu.vector_store %arg6[%swap3A_303, %swap3A_304, %swap3A_305, %swap3A_306], %swap3A_309 {strides = array<i32>} : memref<2x23x8x128xf32, #tpu.memory_space<vmem>>, vector<1x1x1x16xf32>,
          %mul3A_310 = arith.constant 128 : i32
          %mul3A_311 = arith.muli %scan3A_274, %mul3A_310 : i32
          %add3A_312 = arith.addi %add3A_256, %mul3A_311 : i32
          %add3A_313 = arith.constant 16 : i32
          %add3A_314 = arith.addi %add3A_312, %add3A_313 : i32
          %add3A_315 = arith.addi %add3A_314, %add3A_37 : i32
          %jit3A_316 = arith.constant 0 : i32
          %jit3A_317 = arith.constant 208 : i32
          %max3A_318 = arith.maxsi %jit3A_316, %add3A_315 : i32
          %min3A_319 = arith.minsi %jit3A_317, %max3A_318 : i32
          %get3A_320 = arith.index_cast %add3A_290 : i32 to index
          %get3A_321 = arith.index_cast %min3A_319 : i32 to index
          %get3A_322 = tpu.vector_load %arg7[%get3A_320, %get3A_321] {strides = array<i32>} : memref<64x224xf32, #tpu.memory_space<vmem>>, vector<1x16xf32>,
          %get3A_323 = vector.shape_cast %get3A_322 : vector<1x16xf32> to vector<16xf32>
          %swap3A_324 = arith.constant 0 : i32
          %swap3A_325 = arith.index_cast %swap3A_324 : i32 to index
          %swap3A_326 = arith.index_cast %scan3A_274 : i32 to index
          %swap3A_327 = arith.index_cast %scan3A_284 : i32 to index
          %swap3A_328 = arith.constant 16 : index
          %swap3A_329 = tpu.vector_load %arg6[%swap3A_325, %swap3A_326, %swap3A_327, %swap3A_328] {strides = array<i32>} : memref<2x23x8x128xf32, #tpu.memory_space<vmem>>, vector<1x1x1x16xf32>,
          %swap3A_330 = vector.shape_cast %swap3A_329 : vector<1x1x1x16xf32> to vector<16xf32>
          %swap3A_331 = vector.shape_cast %get3A_323 : vector<16xf32> to vector<1x1x1x16xf32>
          tpu.vector_store %arg6[%swap3A_325, %swap3A_326, %swap3A_327, %swap3A_328], %swap3A_331 {strides = array<i32>} : memref<2x23x8x128xf32, #tpu.memory_space<vmem>>, vector<1x1x1x16xf32>,
          %mul3A_332 = arith.constant 128 : i32
          %mul3A_333 = arith.muli %scan3A_274, %mul3A_332 : i32
          %add3A_334 = arith.addi %add3A_256, %mul3A_333 : i32
          %add3A_335 = arith.constant 32 : i32
          %add3A_336 = arith.addi %add3A_334, %add3A_335 : i32
          %add3A_337 = arith.addi %add3A_336, %add3A_37 : i32
          %jit3A_338 = arith.constant 0 : i32
          %jit3A_339 = arith.constant 208 : i32
          %max3A_340 = arith.maxsi %jit3A_338, %add3A_337 : i32
          %min3A_341 = arith.minsi %jit3A_339, %max3A_340 : i32
          %get3A_342 = arith.index_cast %add3A_290 : i32 to index
          %get3A_343 = arith.index_cast %min3A_341 : i32 to index
          %get3A_344 = tpu.vector_load %arg7[%get3A_342, %get3A_343] {strides = array<i32>} : memref<64x224xf32, #tpu.memory_space<vmem>>, vector<1x16xf32>,
          %get3A_345 = vector.shape_cast %get3A_344 : vector<1x16xf32> to vector<16xf32>
          %swap3A_346 = arith.constant 0 : i32
          %swap3A_347 = arith.index_cast %swap3A_346 : i32 to index
          %swap3A_348 = arith.index_cast %scan3A_274 : i32 to index
          %swap3A_349 = arith.index_cast %scan3A_284 : i32 to index
          %swap3A_350 = arith.constant 32 : index
          %swap3A_351 = tpu.vector_load %arg6[%swap3A_347, %swap3A_348, %swap3A_349, %swap3A_350] {strides = array<i32>} : memref<2x23x8x128xf32, #tpu.memory_space<vmem>>, vector<1x1x1x16xf32>,
          %swap3A_352 = vector.shape_cast %swap3A_351 : vector<1x1x1x16xf32> to vector<16xf32>
          %swap3A_353 = vector.shape_cast %get3A_345 : vector<16xf32> to vector<1x1x1x16xf32>
          tpu.vector_store %arg6[%swap3A_347, %swap3A_348, %swap3A_349, %swap3A_350], %swap3A_353 {strides = array<i32>} : memref<2x23x8x128xf32, #tpu.memory_space<vmem>>, vector<1x1x1x16xf32>,
          %mul3A_354 = arith.constant 128 : i32
          %mul3A_355 = arith.muli %scan3A_274, %mul3A_354 : i32
          %add3A_356 = arith.addi %add3A_256, %mul3A_355 : i32
          %add3A_357 = arith.constant 48 : i32
          %add3A_358 = arith.addi %add3A_356, %add3A_357 : i32
          %add3A_359 = arith.addi %add3A_358, %add3A_37 : i32
          %jit3A_360 = arith.constant 0 : i32
          %jit3A_361 = arith.constant 208 : i32
          %max3A_362 = arith.maxsi %jit3A_360, %add3A_359 : i32
          %min3A_363 = arith.minsi %jit3A_361, %max3A_362 : i32
          %get3A_364 = arith.index_cast %add3A_290 : i32 to index
          %get3A_365 = arith.index_cast %min3A_363 : i32 to index
          %get3A_366 = tpu.vector_load %arg7[%get3A_364, %get3A_365] {strides = array<i32>} : memref<64x224xf32, #tpu.memory_space<vmem>>, vector<1x16xf32>,
          %get3A_367 = vector.shape_cast %get3A_366 : vector<1x16xf32> to vector<16xf32>
          %swap3A_368 = arith.constant 0 : i32
          %swap3A_369 = arith.index_cast %swap3A_368 : i32 to index
          %swap3A_370 = arith.index_cast %scan3A_274 : i32 to index
          %swap3A_371 = arith.index_cast %scan3A_284 : i32 to index
          %swap3A_372 = arith.constant 48 : index
          %swap3A_373 = tpu.vector_load %arg6[%swap3A_369, %swap3A_370, %swap3A_371, %swap3A_372] {strides = array<i32>} : memref<2x23x8x128xf32, #tpu.memory_space<vmem>>, vector<1x1x1x16xf32>,
          %swap3A_374 = vector.shape_cast %swap3A_373 : vector<1x1x1x16xf32> to vector<16xf32>
          %swap3A_375 = vector.shape_cast %get3A_367 : vector<16xf32> to vector<1x1x1x16xf32>
          tpu.vector_store %arg6[%swap3A_369, %swap3A_370, %swap3A_371, %swap3A_372], %swap3A_375 {strides = array<i32>} : memref<2x23x8x128xf32, #tpu.memory_space<vmem>>, vector<1x1x1x16xf32>,
          %mul3A_376 = arith.constant 128 : i32
          %mul3A_377 = arith.muli %scan3A_274, %mul3A_376 : i32
          %add3A_378 = arith.addi %add3A_256, %mul3A_377 : i32
          %add3A_379 = arith.constant 64 : i32
          %add3A_380 = arith.addi %add3A_378, %add3A_379 : i32
          %add3A_381 = arith.addi %add3A_380, %add3A_37 : i32
          %jit3A_382 = arith.constant 0 : i32
          %jit3A_383 = arith.constant 208 : i32
          %max3A_384 = arith.maxsi %jit3A_382, %add3A_381 : i32
          %min3A_385 = arith.minsi %jit3A_383, %max3A_384 : i32
          %get3A_386 = arith.index_cast %add3A_290 : i32 to index
          %get3A_387 = arith.index_cast %min3A_385 : i32 to index
          %get3A_388 = tpu.vector_load %arg7[%get3A_386, %get3A_387] {strides = array<i32>} : memref<64x224xf32, #tpu.memory_space<vmem>>, vector<1x16xf32>,
          %get3A_389 = vector.shape_cast %get3A_388 : vector<1x16xf32> to vector<16xf32>
          %swap3A_390 = arith.constant 0 : i32
          %swap3A_391 = arith.index_cast %swap3A_390 : i32 to index
          %swap3A_392 = arith.index_cast %scan3A_274 : i32 to index
          %swap3A_393 = arith.index_cast %scan3A_284 : i32 to index
          %swap3A_394 = arith.constant 64 : index
          %swap3A_395 = tpu.vector_load %arg6[%swap3A_391, %swap3A_392, %swap3A_393, %swap3A_394] {strides = array<i32>} : memref<2x23x8x128xf32, #tpu.memory_space<vmem>>, vector<1x1x1x16xf32>,
          %swap3A_396 = vector.shape_cast %swap3A_395 : vector<1x1x1x16xf32> to vector<16xf32>
          %swap3A_397 = vector.shape_cast %get3A_389 : vector<16xf32> to vector<1x1x1x16xf32>
          tpu.vector_store %arg6[%swap3A_391, %swap3A_392, %swap3A_393, %swap3A_394], %swap3A_397 {strides = array<i32>} : memref<2x23x8x128xf32, #tpu.memory_space<vmem>>, vector<1x1x1x16xf32>,
          %mul3A_398 = arith.constant 128 : i32
          %mul3A_399 = arith.muli %scan3A_274, %mul3A_398 : i32
          %add3A_400 = arith.addi %add3A_256, %mul3A_399 : i32
          %add3A_401 = arith.constant 80 : i32
          %add3A_402 = arith.addi %add3A_400, %add3A_401 : i32
          %add3A_403 = arith.addi %add3A_402, %add3A_37 : i32
          %jit3A_404 = arith.constant 0 : i32
          %jit3A_405 = arith.constant 208 : i32
          %max3A_406 = arith.maxsi %jit3A_404, %add3A_403 : i32
          %min3A_407 = arith.minsi %jit3A_405, %max3A_406 : i32
          %get3A_408 = arith.index_cast %add3A_290 : i32 to index
          %get3A_409 = arith.index_cast %min3A_407 : i32 to index
          %get3A_410 = tpu.vector_load %arg7[%get3A_408, %get3A_409] {strides = array<i32>} : memref<64x224xf32, #tpu.memory_space<vmem>>, vector<1x16xf32>,
          %get3A_411 = vector.shape_cast %get3A_410 : vector<1x16xf32> to vector<16xf32>
          %swap3A_412 = arith.constant 0 : i32
          %swap3A_413 = arith.index_cast %swap3A_412 : i32 to index
          %swap3A_414 = arith.index_cast %scan3A_274 : i32 to index
          %swap3A_415 = arith.index_cast %scan3A_284 : i32 to index
          %swap3A_416 = arith.constant 80 : index
          %swap3A_417 = tpu.vector_load %arg6[%swap3A_413, %swap3A_414, %swap3A_415, %swap3A_416] {strides = array<i32>} : memref<2x23x8x128xf32, #tpu.memory_space<vmem>>, vector<1x1x1x16xf32>,
          %swap3A_418 = vector.shape_cast %swap3A_417 : vector<1x1x1x16xf32> to vector<16xf32>
          %swap3A_419 = vector.shape_cast %get3A_411 : vector<16xf32> to vector<1x1x1x16xf32>
          tpu.vector_store %arg6[%swap3A_413, %swap3A_414, %swap3A_415, %swap3A_416], %swap3A_419 {strides = array<i32>} : memref<2x23x8x128xf32, #tpu.memory_space<vmem>>, vector<1x1x1x16xf32>,
          %mul3A_420 = arith.constant 128 : i32
          %mul3A_421 = arith.muli %scan3A_274, %mul3A_420 : i32
          %add3A_422 = arith.addi %add3A_256, %mul3A_421 : i32
          %add3A_423 = arith.constant 96 : i32
          %add3A_424 = arith.addi %add3A_422, %add3A_423 : i32
          %add3A_425 = arith.addi %add3A_424, %add3A_37 : i32
          %jit3A_426 = arith.constant 0 : i32
          %jit3A_427 = arith.constant 208 : i32
          %max3A_428 = arith.maxsi %jit3A_426, %add3A_425 : i32
          %min3A_429 = arith.minsi %jit3A_427, %max3A_428 : i32
          %get3A_430 = arith.index_cast %add3A_290 : i32 to index
          %get3A_431 = arith.index_cast %min3A_429 : i32 to index
          %get3A_432 = tpu.vector_load %arg7[%get3A_430, %get3A_431] {strides = array<i32>} : memref<64x224xf32, #tpu.memory_space<vmem>>, vector<1x16xf32>,
          %get3A_433 = vector.shape_cast %get3A_432 : vector<1x16xf32> to vector<16xf32>
          %swap3A_434 = arith.constant 0 : i32
          %swap3A_435 = arith.index_cast %swap3A_434 : i32 to index
          %swap3A_436 = arith.index_cast %scan3A_274 : i32 to index
          %swap3A_437 = arith.index_cast %scan3A_284 : i32 to index
          %swap3A_438 = arith.constant 96 : index
          %swap3A_439 = tpu.vector_load %arg6[%swap3A_435, %swap3A_436, %swap3A_437, %swap3A_438] {strides = array<i32>} : memref<2x23x8x128xf32, #tpu.memory_space<vmem>>, vector<1x1x1x16xf32>,
          %swap3A_440 = vector.shape_cast %swap3A_439 : vector<1x1x1x16xf32> to vector<16xf32>
          %swap3A_441 = vector.shape_cast %get3A_433 : vector<16xf32> to vector<1x1x1x16xf32>
          tpu.vector_store %arg6[%swap3A_435, %swap3A_436, %swap3A_437, %swap3A_438], %swap3A_441 {strides = array<i32>} : memref<2x23x8x128xf32, #tpu.memory_space<vmem>>, vector<1x1x1x16xf32>,
          %mul3A_442 = arith.constant 128 : i32
          %mul3A_443 = arith.muli %scan3A_274, %mul3A_442 : i32
          %add3A_444 = arith.addi %add3A_256, %mul3A_443 : i32
          %add3A_445 = arith.constant 112 : i32
          %add3A_446 = arith.addi %add3A_444, %add3A_445 : i32
          %add3A_447 = arith.addi %add3A_446, %add3A_37 : i32
          %jit3A_448 = arith.constant 0 : i32
          %jit3A_449 = arith.constant 208 : i32
          %max3A_450 = arith.maxsi %jit3A_448, %add3A_447 : i32
          %min3A_451 = arith.minsi %jit3A_449, %max3A_450 : i32
          %get3A_452 = arith.index_cast %add3A_290 : i32 to index
          %get3A_453 = arith.index_cast %min3A_451 : i32 to index
          %get3A_454 = tpu.vector_load %arg7[%get3A_452, %get3A_453] {strides = array<i32>} : memref<64x224xf32, #tpu.memory_space<vmem>>, vector<1x16xf32>,
          %get3A_455 = vector.shape_cast %get3A_454 : vector<1x16xf32> to vector<16xf32>
          %swap3A_456 = arith.constant 0 : i32
          %swap3A_457 = arith.index_cast %swap3A_456 : i32 to index
          %swap3A_458 = arith.index_cast %scan3A_274 : i32 to index
          %swap3A_459 = arith.index_cast %scan3A_284 : i32 to index
          %swap3A_460 = arith.constant 112 : index
          %swap3A_461 = tpu.vector_load %arg6[%swap3A_457, %swap3A_458, %swap3A_459, %swap3A_460] {strides = array<i32>} : memref<2x23x8x128xf32, #tpu.memory_space<vmem>>, vector<1x1x1x16xf32>,
          %swap3A_462 = vector.shape_cast %swap3A_461 : vector<1x1x1x16xf32> to vector<16xf32>
          %swap3A_463 = vector.shape_cast %get3A_455 : vector<16xf32> to vector<1x1x1x16xf32>
          tpu.vector_store %arg6[%swap3A_457, %swap3A_458, %swap3A_459, %swap3A_460], %swap3A_463 {strides = array<i32>} : memref<2x23x8x128xf32, #tpu.memory_space<vmem>>, vector<1x1x1x16xf32>,
          %mul3A_464 = arith.constant 16 : i32
          %mul3A_465 = arith.muli %select_n3A_30, %mul3A_464 : i32
          %add3A_466 = arith.constant 8 : i32
          %add3A_467 = arith.addi %mul3A_465, %add3A_466 : i32
          %add3A_468 = arith.addi %add3A_467, %scan3A_284 : i32
          %mul3A_469 = arith.constant 128 : i32
          %mul3A_470 = arith.muli %scan3A_274, %mul3A_469 : i32
          %add3A_471 = arith.addi %add3A_256, %mul3A_470 : i32
          %add3A_472 = arith.constant 0 : i32
          %add3A_473 = arith.addi %add3A_471, %add3A_472 : i32
          %add3A_474 = arith.addi %add3A_473, %add3A_37 : i32
          %jit3A_475 = arith.constant 0 : i32
          %jit3A_476 = arith.constant 208 : i32
          %max3A_477 = arith.maxsi %jit3A_475, %add3A_474 : i32
          %min3A_478 = arith.minsi %jit3A_476, %max3A_477 : i32
          %get3A_479 = arith.index_cast %add3A_468 : i32 to index
          %get3A_480 = arith.index_cast %min3A_478 : i32 to index
          %get3A_481 = tpu.vector_load %arg7[%get3A_479, %get3A_480] {strides = array<i32>} : memref<64x224xf32, #tpu.memory_space<vmem>>, vector<1x16xf32>,
          %get3A_482 = vector.shape_cast %get3A_481 : vector<1x16xf32> to vector<16xf32>
          %swap3A_483 = arith.constant 1 : i32
          %swap3A_484 = arith.index_cast %swap3A_483 : i32 to index
          %swap3A_485 = arith.index_cast %scan3A_274 : i32 to index
          %swap3A_486 = arith.index_cast %scan3A_284 : i32 to index
          %swap3A_487 = arith.constant 0 : index
          %swap3A_488 = tpu.vector_load %arg6[%swap3A_484, %swap3A_485, %swap3A_486, %swap3A_487] {strides = array<i32>} : memref<2x23x8x128xf32, #tpu.memory_space<vmem>>, vector<1x1x1x16xf32>,
          %swap3A_489 = vector.shape_cast %swap3A_488 : vector<1x1x1x16xf32> to vector<16xf32>
          %swap3A_490 = vector.shape_cast %get3A_482 : vector<16xf32> to vector<1x1x1x16xf32>
          tpu.vector_store %arg6[%swap3A_484, %swap3A_485, %swap3A_486, %swap3A_487], %swap3A_490 {strides = array<i32>} : memref<2x23x8x128xf32, #tpu.memory_space<vmem>>, vector<1x1x1x16xf32>,
          %mul3A_491 = arith.constant 128 : i32
          %mul3A_492 = arith.muli %scan3A_274, %mul3A_491 : i32
          %add3A_493 = arith.addi %add3A_256, %mul3A_492 : i32
          %add3A_494 = arith.constant 16 : i32
          %add3A_495 = arith.addi %add3A_493, %add3A_494 : i32
          %add3A_496 = arith.addi %add3A_495, %add3A_37 : i32
          %jit3A_497 = arith.constant 0 : i32
          %jit3A_498 = arith.constant 208 : i32
          %max3A_499 = arith.maxsi %jit3A_497, %add3A_496 : i32
          %min3A_500 = arith.minsi %jit3A_498, %max3A_499 : i32
          %get3A_501 = arith.index_cast %add3A_468 : i32 to index
          %get3A_502 = arith.index_cast %min3A_500 : i32 to index
          %get3A_503 = tpu.vector_load %arg7[%get3A_501, %get3A_502] {strides = array<i32>} : memref<64x224xf32, #tpu.memory_space<vmem>>, vector<1x16xf32>,
          %get3A_504 = vector.shape_cast %get3A_503 : vector<1x16xf32> to vector<16xf32>
          %swap3A_505 = arith.constant 1 : i32
          %swap3A_506 = arith.index_cast %swap3A_505 : i32 to index
          %swap3A_507 = arith.index_cast %scan3A_274 : i32 to index
          %swap3A_508 = arith.index_cast %scan3A_284 : i32 to index
          %swap3A_509 = arith.constant 16 : index
          %swap3A_510 = tpu.vector_load %arg6[%swap3A_506, %swap3A_507, %swap3A_508, %swap3A_509] {strides = array<i32>} : memref<2x23x8x128xf32, #tpu.memory_space<vmem>>, vector<1x1x1x16xf32>,
          %swap3A_511 = vector.shape_cast %swap3A_510 : vector<1x1x1x16xf32> to vector<16xf32>
          %swap3A_512 = vector.shape_cast %get3A_504 : vector<16xf32> to vector<1x1x1x16xf32>
          tpu.vector_store %arg6[%swap3A_506, %swap3A_507, %swap3A_508, %swap3A_509], %swap3A_512 {strides = array<i32>} : memref<2x23x8x128xf32, #tpu.memory_space<vmem>>, vector<1x1x1x16xf32>,
          %mul3A_513 = arith.constant 128 : i32
          %mul3A_514 = arith.muli %scan3A_274, %mul3A_513 : i32
          %add3A_515 = arith.addi %add3A_256, %mul3A_514 : i32
          %add3A_516 = arith.constant 32 : i32
          %add3A_517 = arith.addi %add3A_515, %add3A_516 : i32
          %add3A_518 = arith.addi %add3A_517, %add3A_37 : i32
          %jit3A_519 = arith.constant 0 : i32
          %jit3A_520 = arith.constant 208 : i32
          %max3A_521 = arith.maxsi %jit3A_519, %add3A_518 : i32
          %min3A_522 = arith.minsi %jit3A_520, %max3A_521 : i32
          %get3A_523 = arith.index_cast %add3A_468 : i32 to index
          %get3A_524 = arith.index_cast %min3A_522 : i32 to index
          %get3A_525 = tpu.vector_load %arg7[%get3A_523, %get3A_524] {strides = array<i32>} : memref<64x224xf32, #tpu.memory_space<vmem>>, vector<1x16xf32>,
          %get3A_526 = vector.shape_cast %get3A_525 : vector<1x16xf32> to vector<16xf32>
          %swap3A_527 = arith.constant 1 : i32
          %swap3A_528 = arith.index_cast %swap3A_527 : i32 to index
          %swap3A_529 = arith.index_cast %scan3A_274 : i32 to index
          %swap3A_530 = arith.index_cast %scan3A_284 : i32 to index
          %swap3A_531 = arith.constant 32 : index
          %swap3A_532 = tpu.vector_load %arg6[%swap3A_528, %swap3A_529, %swap3A_530, %swap3A_531] {strides = array<i32>} : memref<2x23x8x128xf32, #tpu.memory_space<vmem>>, vector<1x1x1x16xf32>,
          %swap3A_533 = vector.shape_cast %swap3A_532 : vector<1x1x1x16xf32> to vector<16xf32>
          %swap3A_534 = vector.shape_cast %get3A_526 : vector<16xf32> to vector<1x1x1x16xf32>
          tpu.vector_store %arg6[%swap3A_528, %swap3A_529, %swap3A_530, %swap3A_531], %swap3A_534 {strides = array<i32>} : memref<2x23x8x128xf32, #tpu.memory_space<vmem>>, vector<1x1x1x16xf32>,
          %mul3A_535 = arith.constant 128 : i32
          %mul3A_536 = arith.muli %scan3A_274, %mul3A_535 : i32
          %add3A_537 = arith.addi %add3A_256, %mul3A_536 : i32
          %add3A_538 = arith.constant 48 : i32
          %add3A_539 = arith.addi %add3A_537, %add3A_538 : i32
          %add3A_540 = arith.addi %add3A_539, %add3A_37 : i32
          %jit3A_541 = arith.constant 0 : i32
          %jit3A_542 = arith.constant 208 : i32
          %max3A_543 = arith.maxsi %jit3A_541, %add3A_540 : i32
          %min3A_544 = arith.minsi %jit3A_542, %max3A_543 : i32
          %get3A_545 = arith.index_cast %add3A_468 : i32 to index
          %get3A_546 = arith.index_cast %min3A_544 : i32 to index
          %get3A_547 = tpu.vector_load %arg7[%get3A_545, %get3A_546] {strides = array<i32>} : memref<64x224xf32, #tpu.memory_space<vmem>>, vector<1x16xf32>,
          %get3A_548 = vector.shape_cast %get3A_547 : vector<1x16xf32> to vector<16xf32>
          %swap3A_549 = arith.constant 1 : i32
          %swap3A_550 = arith.index_cast %swap3A_549 : i32 to index
          %swap3A_551 = arith.index_cast %scan3A_274 : i32 to index
          %swap3A_552 = arith.index_cast %scan3A_284 : i32 to index
          %swap3A_553 = arith.constant 48 : index
          %swap3A_554 = tpu.vector_load %arg6[%swap3A_550, %swap3A_551, %swap3A_552, %swap3A_553] {strides = array<i32>} : memref<2x23x8x128xf32, #tpu.memory_space<vmem>>, vector<1x1x1x16xf32>,
          %swap3A_555 = vector.shape_cast %swap3A_554 : vector<1x1x1x16xf32> to vector<16xf32>
          %swap3A_556 = vector.shape_cast %get3A_548 : vector<16xf32> to vector<1x1x1x16xf32>
          tpu.vector_store %arg6[%swap3A_550, %swap3A_551, %swap3A_552, %swap3A_553], %swap3A_556 {strides = array<i32>} : memref<2x23x8x128xf32, #tpu.memory_space<vmem>>, vector<1x1x1x16xf32>,
          %mul3A_557 = arith.constant 128 : i32
          %mul3A_558 = arith.muli %scan3A_274, %mul3A_557 : i32
          %add3A_559 = arith.addi %add3A_256, %mul3A_558 : i32
          %add3A_560 = arith.constant 64 : i32
          %add3A_561 = arith.addi %add3A_559, %add3A_560 : i32
          %add3A_562 = arith.addi %add3A_561, %add3A_37 : i32
          %jit3A_563 = arith.constant 0 : i32
          %jit3A_564 = arith.constant 208 : i32
          %max3A_565 = arith.maxsi %jit3A_563, %add3A_562 : i32
          %min3A_566 = arith.minsi %jit3A_564, %max3A_565 : i32
          %get3A_567 = arith.index_cast %add3A_468 : i32 to index
          %get3A_568 = arith.index_cast %min3A_566 : i32 to index
          %get3A_569 = tpu.vector_load %arg7[%get3A_567, %get3A_568] {strides = array<i32>} : memref<64x224xf32, #tpu.memory_space<vmem>>, vector<1x16xf32>,
          %get3A_570 = vector.shape_cast %get3A_569 : vector<1x16xf32> to vector<16xf32>
          %swap3A_571 = arith.constant 1 : i32
          %swap3A_572 = arith.index_cast %swap3A_571 : i32 to index
          %swap3A_573 = arith.index_cast %scan3A_274 : i32 to index
          %swap3A_574 = arith.index_cast %scan3A_284 : i32 to index
          %swap3A_575 = arith.constant 64 : index
          %swap3A_576 = tpu.vector_load %arg6[%swap3A_572, %swap3A_573, %swap3A_574, %swap3A_575] {strides = array<i32>} : memref<2x23x8x128xf32, #tpu.memory_space<vmem>>, vector<1x1x1x16xf32>,
          %swap3A_577 = vector.shape_cast %swap3A_576 : vector<1x1x1x16xf32> to vector<16xf32>
          %swap3A_578 = vector.shape_cast %get3A_570 : vector<16xf32> to vector<1x1x1x16xf32>
          tpu.vector_store %arg6[%swap3A_572, %swap3A_573, %swap3A_574, %swap3A_575], %swap3A_578 {strides = array<i32>} : memref<2x23x8x128xf32, #tpu.memory_space<vmem>>, vector<1x1x1x16xf32>,
          %mul3A_579 = arith.constant 128 : i32
          %mul3A_580 = arith.muli %scan3A_274, %mul3A_579 : i32
          %add3A_581 = arith.addi %add3A_256, %mul3A_580 : i32
          %add3A_582 = arith.constant 80 : i32
          %add3A_583 = arith.addi %add3A_581, %add3A_582 : i32
          %add3A_584 = arith.addi %add3A_583, %add3A_37 : i32
          %jit3A_585 = arith.constant 0 : i32
          %jit3A_586 = arith.constant 208 : i32
          %max3A_587 = arith.maxsi %jit3A_585, %add3A_584 : i32
          %min3A_588 = arith.minsi %jit3A_586, %max3A_587 : i32
          %get3A_589 = arith.index_cast %add3A_468 : i32 to index
          %get3A_590 = arith.index_cast %min3A_588 : i32 to index
          %get3A_591 = tpu.vector_load %arg7[%get3A_589, %get3A_590] {strides = array<i32>} : memref<64x224xf32, #tpu.memory_space<vmem>>, vector<1x16xf32>,
          %get3A_592 = vector.shape_cast %get3A_591 : vector<1x16xf32> to vector<16xf32>
          %swap3A_593 = arith.constant 1 : i32
          %swap3A_594 = arith.index_cast %swap3A_593 : i32 to index
          %swap3A_595 = arith.index_cast %scan3A_274 : i32 to index
          %swap3A_596 = arith.index_cast %scan3A_284 : i32 to index
          %swap3A_597 = arith.constant 80 : index
          %swap3A_598 = tpu.vector_load %arg6[%swap3A_594, %swap3A_595, %swap3A_596, %swap3A_597] {strides = array<i32>} : memref<2x23x8x128xf32, #tpu.memory_space<vmem>>, vector<1x1x1x16xf32>,
          %swap3A_599 = vector.shape_cast %swap3A_598 : vector<1x1x1x16xf32> to vector<16xf32>
          %swap3A_600 = vector.shape_cast %get3A_592 : vector<16xf32> to vector<1x1x1x16xf32>
          tpu.vector_store %arg6[%swap3A_594, %swap3A_595, %swap3A_596, %swap3A_597], %swap3A_600 {strides = array<i32>} : memref<2x23x8x128xf32, #tpu.memory_space<vmem>>, vector<1x1x1x16xf32>,
          %mul3A_601 = arith.constant 128 : i32
          %mul3A_602 = arith.muli %scan3A_274, %mul3A_601 : i32
          %add3A_603 = arith.addi %add3A_256, %mul3A_602 : i32
          %add3A_604 = arith.constant 96 : i32
          %add3A_605 = arith.addi %add3A_603, %add3A_604 : i32
          %add3A_606 = arith.addi %add3A_605, %add3A_37 : i32
          %jit3A_607 = arith.constant 0 : i32
          %jit3A_608 = arith.constant 208 : i32
          %max3A_609 = arith.maxsi %jit3A_607, %add3A_606 : i32
          %min3A_610 = arith.minsi %jit3A_608, %max3A_609 : i32
          %get3A_611 = arith.index_cast %add3A_468 : i32 to index
          %get3A_612 = arith.index_cast %min3A_610 : i32 to index
          %get3A_613 = tpu.vector_load %arg7[%get3A_611, %get3A_612] {strides = array<i32>} : memref<64x224xf32, #tpu.memory_space<vmem>>, vector<1x16xf32>,
          %get3A_614 = vector.shape_cast %get3A_613 : vector<1x16xf32> to vector<16xf32>
          %swap3A_615 = arith.constant 1 : i32
          %swap3A_616 = arith.index_cast %swap3A_615 : i32 to index
          %swap3A_617 = arith.index_cast %scan3A_274 : i32 to index
          %swap3A_618 = arith.index_cast %scan3A_284 : i32 to index
          %swap3A_619 = arith.constant 96 : index
          %swap3A_620 = tpu.vector_load %arg6[%swap3A_616, %swap3A_617, %swap3A_618, %swap3A_619] {strides = array<i32>} : memref<2x23x8x128xf32, #tpu.memory_space<vmem>>, vector<1x1x1x16xf32>,
          %swap3A_621 = vector.shape_cast %swap3A_620 : vector<1x1x1x16xf32> to vector<16xf32>
          %swap3A_622 = vector.shape_cast %get3A_614 : vector<16xf32> to vector<1x1x1x16xf32>
          tpu.vector_store %arg6[%swap3A_616, %swap3A_617, %swap3A_618, %swap3A_619], %swap3A_622 {strides = array<i32>} : memref<2x23x8x128xf32, #tpu.memory_space<vmem>>, vector<1x1x1x16xf32>,
          %mul3A_623 = arith.constant 128 : i32
          %mul3A_624 = arith.muli %scan3A_274, %mul3A_623 : i32
          %add3A_625 = arith.addi %add3A_256, %mul3A_624 : i32
          %add3A_626 = arith.constant 112 : i32
          %add3A_627 = arith.addi %add3A_625, %add3A_626 : i32
          %add3A_628 = arith.addi %add3A_627, %add3A_37 : i32
          %jit3A_629 = arith.constant 0 : i32
          %jit3A_630 = arith.constant 208 : i32
          %max3A_631 = arith.maxsi %jit3A_629, %add3A_628 : i32
          %min3A_632 = arith.minsi %jit3A_630, %max3A_631 : i32
          %get3A_633 = arith.index_cast %add3A_468 : i32 to index
          %get3A_634 = arith.index_cast %min3A_632 : i32 to index
          %get3A_635 = tpu.vector_load %arg7[%get3A_633, %get3A_634] {strides = array<i32>} : memref<64x224xf32, #tpu.memory_space<vmem>>, vector<1x16xf32>,
          %get3A_636 = vector.shape_cast %get3A_635 : vector<1x16xf32> to vector<16xf32>
          %swap3A_637 = arith.constant 1 : i32
          %swap3A_638 = arith.index_cast %swap3A_637 : i32 to index
          %swap3A_639 = arith.index_cast %scan3A_274 : i32 to index
          %swap3A_640 = arith.index_cast %scan3A_284 : i32 to index
          %swap3A_641 = arith.constant 112 : index
          %swap3A_642 = tpu.vector_load %arg6[%swap3A_638, %swap3A_639, %swap3A_640, %swap3A_641] {strides = array<i32>} : memref<2x23x8x128xf32, #tpu.memory_space<vmem>>, vector<1x1x1x16xf32>,
          %swap3A_643 = vector.shape_cast %swap3A_642 : vector<1x1x1x16xf32> to vector<16xf32>
          %swap3A_644 = vector.shape_cast %get3A_636 : vector<16xf32> to vector<1x1x1x16xf32>
          tpu.vector_store %arg6[%swap3A_638, %swap3A_639, %swap3A_640, %swap3A_641], %swap3A_644 {strides = array<i32>} : memref<2x23x8x128xf32, #tpu.memory_space<vmem>>, vector<1x1x1x16xf32>,
          %scan3A_645 = arith.constant 0 : i32
          scf.yield %scan3A_645 : i32
        }
        %scan3A_282 = arith.constant 8 : i32
        %scan3A_283 = arith.constant 0 : i32
        scf.yield %scan3A_283 : i32
      }
      %scan3A_263 = arith.constant 23 : i32
      %gt3A = arith.constant 0 : i32
      %gt3A_264 = arith.cmpi sgt, %scan3A_251, %gt3A : i32
      %convert_element_type3A = arith.extui %gt3A_264 : i1 to i32
      %cond3A = arith.constant 0 : i32
      %cond3A_265 = arith.cmpi ne, %convert_element_type3A, %cond3A : i32
      scf.if %cond3A_265 {
        %dma_wait3A_274 = arith.constant 0 : i32
        %dma_wait3A_275 = arith.constant 0 : i32
        %dma_wait3A_276 = arith.constant 0 : i32
        %dma_wait3A_277 = arith.constant 0 : i32
        %dma_wait3A_278 = arith.constant 0 : i32
        %dma_wait3A_279 = arith.constant 0 : i32
        %dma_wait3A_280 = tpu.memref_slice %arg4[%dma_wait3A_275, %dma_wait3A_276, %dma_wait3A_277, %dma_wait3A_278, %dma_wait3A_279] : memref<2048x8x16x8x128xf32, #tpu.memory_space<hbm>> -> memref<1x1x16x8x128xf32, #tpu.memory_space<hbm>>
        %dma_wait3A_281 = tpu.memref_squeeze %dma_wait3A_280 : memref<1x1x16x8x128xf32, #tpu.memory_space<hbm>> -> memref<16x8x128xf32, #tpu.memory_space<hbm>>
        %dma_wait3A_282 = arith.constant 0 : i32
        %dma_wait3A_283 = arith.constant 0 : i32
        %dma_wait3A_284 = arith.constant 0 : i32
        %dma_wait3A_285 = tpu.memref_slice %arg5[%arg1, %dma_wait3A_274, %dma_wait3A_282, %dma_wait3A_283, %dma_wait3A_284] : memref<16x2x23x8x128xf32, #tpu.memory_space<vmem_shared>> -> memref<1x1x16x8x128xf32, #tpu.memory_space<vmem_shared>>
        %dma_wait3A_286 = tpu.memref_squeeze %dma_wait3A_285 : memref<1x1x16x8x128xf32, #tpu.memory_space<vmem_shared>> -> memref<16x8x128xf32, #tpu.memory_space<vmem_shared>>
        tpu.wait_dma2 semaphore(%arg9 : memref<!tpu.dma_semaphore, #tpu.memory_space<semaphore_mem>>) src(%dma_wait3A_286 : memref<16x8x128xf32, #tpu.memory_space<vmem_shared>>) dst(%dma_wait3A_281 : memref<16x8x128xf32, #tpu.memory_space<hbm>>)
        %dma_wait3A_287 = arith.constant 0 : i32
        %dma_wait3A_288 = arith.constant 0 : i32
        %dma_wait3A_289 = arith.constant 0 : i32
        %dma_wait3A_290 = arith.constant 0 : i32
        %dma_wait3A_291 = arith.constant 0 : i32
        %dma_wait3A_292 = arith.constant 0 : i32
        %dma_wait3A_293 = tpu.memref_slice %arg4[%dma_wait3A_288, %dma_wait3A_289, %dma_wait3A_290, %dma_wait3A_291, %dma_wait3A_292] : memref<2048x8x16x8x128xf32, #tpu.memory_space<hbm>> -> memref<1x1x16x8x128xf32, #tpu.memory_space<hbm>>
        %dma_wait3A_294 = tpu.memref_squeeze %dma_wait3A_293 : memref<1x1x16x8x128xf32, #tpu.memory_space<hbm>> -> memref<16x8x128xf32, #tpu.memory_space<hbm>>
        %dma_wait3A_295 = arith.constant 0 : i32
        %dma_wait3A_296 = arith.constant 0 : i32
        %dma_wait3A_297 = arith.constant 0 : i32
        %dma_wait3A_298 = tpu.memref_slice %arg5[%arg1, %dma_wait3A_287, %dma_wait3A_295, %dma_wait3A_296, %dma_wait3A_297] : memref<16x2x23x8x128xf32, #tpu.memory_space<vmem_shared>> -> memref<1x1x16x8x128xf32, #tpu.memory_space<vmem_shared>>
        %dma_wait3A_299 = tpu.memref_squeeze %dma_wait3A_298 : memref<1x1x16x8x128xf32, #tpu.memory_space<vmem_shared>> -> memref<16x8x128xf32, #tpu.memory_space<vmem_shared>>
        tpu.wait_dma2 semaphore(%arg9 : memref<!tpu.dma_semaphore, #tpu.memory_space<semaphore_mem>>) src(%dma_wait3A_299 : memref<16x8x128xf32, #tpu.memory_space<vmem_shared>>) dst(%dma_wait3A_294 : memref<16x8x128xf32, #tpu.memory_space<hbm>>)
        %dma_wait3A_300 = arith.constant 0 : i32
        %dma_wait3A_301 = arith.constant 0 : i32
        %dma_wait3A_302 = arith.constant 0 : i32
        %dma_wait3A_303 = arith.constant 0 : i32
        %dma_wait3A_304 = arith.constant 0 : i32
        %dma_wait3A_305 = arith.constant 0 : i32
        %dma_wait3A_306 = tpu.memref_slice %arg4[%dma_wait3A_301, %dma_wait3A_302, %dma_wait3A_303, %dma_wait3A_304, %dma_wait3A_305] : memref<2048x8x16x8x128xf32, #tpu.memory_space<hbm>> -> memref<1x1x16x8x128xf32, #tpu.memory_space<hbm>>
        %dma_wait3A_307 = tpu.memref_squeeze %dma_wait3A_306 : memref<1x1x16x8x128xf32, #tpu.memory_space<hbm>> -> memref<16x8x128xf32, #tpu.memory_space<hbm>>
        %dma_wait3A_308 = arith.constant 0 : i32
        %dma_wait3A_309 = arith.constant 0 : i32
        %dma_wait3A_310 = arith.constant 0 : i32
        %dma_wait3A_311 = tpu.memref_slice %arg5[%arg1, %dma_wait3A_300, %dma_wait3A_308, %dma_wait3A_309, %dma_wait3A_310] : memref<16x2x23x8x128xf32, #tpu.memory_space<vmem_shared>> -> memref<1x1x16x8x128xf32, #tpu.memory_space<vmem_shared>>
        %dma_wait3A_312 = tpu.memref_squeeze %dma_wait3A_311 : memref<1x1x16x8x128xf32, #tpu.memory_space<vmem_shared>> -> memref<16x8x128xf32, #tpu.memory_space<vmem_shared>>
        tpu.wait_dma2 semaphore(%arg9 : memref<!tpu.dma_semaphore, #tpu.memory_space<semaphore_mem>>) src(%dma_wait3A_312 : memref<16x8x128xf32, #tpu.memory_space<vmem_shared>>) dst(%dma_wait3A_307 : memref<16x8x128xf32, #tpu.memory_space<hbm>>)
        %dma_wait3A_313 = arith.constant 0 : i32
        %dma_wait3A_314 = arith.constant 0 : i32
        %dma_wait3A_315 = arith.constant 0 : i32
        %dma_wait3A_316 = arith.constant 0 : i32
        %dma_wait3A_317 = arith.constant 0 : i32
        %dma_wait3A_318 = arith.constant 0 : i32
        %dma_wait3A_319 = tpu.memref_slice %arg4[%dma_wait3A_314, %dma_wait3A_315, %dma_wait3A_316, %dma_wait3A_317, %dma_wait3A_318] : memref<2048x8x16x8x128xf32, #tpu.memory_space<hbm>> -> memref<1x1x16x8x128xf32, #tpu.memory_space<hbm>>
        %dma_wait3A_320 = tpu.memref_squeeze %dma_wait3A_319 : memref<1x1x16x8x128xf32, #tpu.memory_space<hbm>> -> memref<16x8x128xf32, #tpu.memory_space<hbm>>
        %dma_wait3A_321 = arith.constant 0 : i32
        %dma_wait3A_322 = arith.constant 0 : i32
        %dma_wait3A_323 = arith.constant 0 : i32
        %dma_wait3A_324 = tpu.memref_slice %arg5[%arg1, %dma_wait3A_313, %dma_wait3A_321, %dma_wait3A_322, %dma_wait3A_323] : memref<16x2x23x8x128xf32, #tpu.memory_space<vmem_shared>> -> memref<1x1x16x8x128xf32, #tpu.memory_space<vmem_shared>>
        %dma_wait3A_325 = tpu.memref_squeeze %dma_wait3A_324 : memref<1x1x16x8x128xf32, #tpu.memory_space<vmem_shared>> -> memref<16x8x128xf32, #tpu.memory_space<vmem_shared>>
        tpu.wait_dma2 semaphore(%arg9 : memref<!tpu.dma_semaphore, #tpu.memory_space<semaphore_mem>>) src(%dma_wait3A_325 : memref<16x8x128xf32, #tpu.memory_space<vmem_shared>>) dst(%dma_wait3A_320 : memref<16x8x128xf32, #tpu.memory_space<hbm>>)
        %dma_wait3A_326 = arith.constant 0 : i32
        %dma_wait3A_327 = arith.constant 0 : i32
        %dma_wait3A_328 = arith.constant 0 : i32
        %dma_wait3A_329 = arith.constant 0 : i32
        %dma_wait3A_330 = arith.constant 0 : i32
        %dma_wait3A_331 = arith.constant 0 : i32
        %dma_wait3A_332 = tpu.memref_slice %arg4[%dma_wait3A_327, %dma_wait3A_328, %dma_wait3A_329, %dma_wait3A_330, %dma_wait3A_331] : memref<2048x8x16x8x128xf32, #tpu.memory_space<hbm>> -> memref<1x1x16x8x128xf32, #tpu.memory_space<hbm>>
        %dma_wait3A_333 = tpu.memref_squeeze %dma_wait3A_332 : memref<1x1x16x8x128xf32, #tpu.memory_space<hbm>> -> memref<16x8x128xf32, #tpu.memory_space<hbm>>
        %dma_wait3A_334 = arith.constant 0 : i32
        %dma_wait3A_335 = arith.constant 0 : i32
        %dma_wait3A_336 = arith.constant 0 : i32
        %dma_wait3A_337 = tpu.memref_slice %arg5[%arg1, %dma_wait3A_326, %dma_wait3A_334, %dma_wait3A_335, %dma_wait3A_336] : memref<16x2x23x8x128xf32, #tpu.memory_space<vmem_shared>> -> memref<1x1x16x8x128xf32, #tpu.memory_space<vmem_shared>>
        %dma_wait3A_338 = tpu.memref_squeeze %dma_wait3A_337 : memref<1x1x16x8x128xf32, #tpu.memory_space<vmem_shared>> -> memref<16x8x128xf32, #tpu.memory_space<vmem_shared>>
        tpu.wait_dma2 semaphore(%arg9 : memref<!tpu.dma_semaphore, #tpu.memory_space<semaphore_mem>>) src(%dma_wait3A_338 : memref<16x8x128xf32, #tpu.memory_space<vmem_shared>>) dst(%dma_wait3A_333 : memref<16x8x128xf32, #tpu.memory_space<hbm>>)
        %dma_wait3A_339 = arith.constant 0 : i32
        %dma_wait3A_340 = arith.constant 0 : i32
        %dma_wait3A_341 = arith.constant 0 : i32
        %dma_wait3A_342 = arith.constant 0 : i32
        %dma_wait3A_343 = arith.constant 0 : i32
        %dma_wait3A_344 = arith.constant 0 : i32
        %dma_wait3A_345 = tpu.memref_slice %arg4[%dma_wait3A_340, %dma_wait3A_341, %dma_wait3A_342, %dma_wait3A_343, %dma_wait3A_344] : memref<2048x8x16x8x128xf32, #tpu.memory_space<hbm>> -> memref<1x1x16x8x128xf32, #tpu.memory_space<hbm>>
        %dma_wait3A_346 = tpu.memref_squeeze %dma_wait3A_345 : memref<1x1x16x8x128xf32, #tpu.memory_space<hbm>> -> memref<16x8x128xf32, #tpu.memory_space<hbm>>
        %dma_wait3A_347 = arith.constant 0 : i32
        %dma_wait3A_348 = arith.constant 0 : i32
        %dma_wait3A_349 = arith.constant 0 : i32
        %dma_wait3A_350 = tpu.memref_slice %arg5[%arg1, %dma_wait3A_339, %dma_wait3A_347, %dma_wait3A_348, %dma_wait3A_349] : memref<16x2x23x8x128xf32, #tpu.memory_space<vmem_shared>> -> memref<1x1x16x8x128xf32, #tpu.memory_space<vmem_shared>>
        %dma_wait3A_351 = tpu.memref_squeeze %dma_wait3A_350 : memref<1x1x16x8x128xf32, #tpu.memory_space<vmem_shared>> -> memref<16x8x128xf32, #tpu.memory_space<vmem_shared>>
        tpu.wait_dma2 semaphore(%arg9 : memref<!tpu.dma_semaphore, #tpu.memory_space<semaphore_mem>>) src(%dma_wait3A_351 : memref<16x8x128xf32, #tpu.memory_space<vmem_shared>>) dst(%dma_wait3A_346 : memref<16x8x128xf32, #tpu.memory_space<hbm>>)
        %dma_wait3A_352 = arith.constant 0 : i32
        %dma_wait3A_353 = arith.constant 0 : i32
        %dma_wait3A_354 = arith.constant 0 : i32
        %dma_wait3A_355 = arith.constant 0 : i32
        %dma_wait3A_356 = arith.constant 0 : i32
        %dma_wait3A_357 = arith.constant 0 : i32
        %dma_wait3A_358 = tpu.memref_slice %arg4[%dma_wait3A_353, %dma_wait3A_354, %dma_wait3A_355, %dma_wait3A_356, %dma_wait3A_357] : memref<2048x8x16x8x128xf32, #tpu.memory_space<hbm>> -> memref<1x1x16x8x128xf32, #tpu.memory_space<hbm>>
        %dma_wait3A_359 = tpu.memref_squeeze %dma_wait3A_358 : memref<1x1x16x8x128xf32, #tpu.memory_space<hbm>> -> memref<16x8x128xf32, #tpu.memory_space<hbm>>
        %dma_wait3A_360 = arith.constant 0 : i32
        %dma_wait3A_361 = arith.constant 0 : i32
        %dma_wait3A_362 = arith.constant 0 : i32
        %dma_wait3A_363 = tpu.memref_slice %arg5[%arg1, %dma_wait3A_352, %dma_wait3A_360, %dma_wait3A_361, %dma_wait3A_362] : memref<16x2x23x8x128xf32, #tpu.memory_space<vmem_shared>> -> memref<1x1x16x8x128xf32, #tpu.memory_space<vmem_shared>>
        %dma_wait3A_364 = tpu.memref_squeeze %dma_wait3A_363 : memref<1x1x16x8x128xf32, #tpu.memory_space<vmem_shared>> -> memref<16x8x128xf32, #tpu.memory_space<vmem_shared>>
        tpu.wait_dma2 semaphore(%arg9 : memref<!tpu.dma_semaphore, #tpu.memory_space<semaphore_mem>>) src(%dma_wait3A_364 : memref<16x8x128xf32, #tpu.memory_space<vmem_shared>>) dst(%dma_wait3A_359 : memref<16x8x128xf32, #tpu.memory_space<hbm>>)
        %dma_wait3A_365 = arith.constant 0 : i32
        %dma_wait3A_366 = arith.constant 0 : i32
        %dma_wait3A_367 = arith.constant 0 : i32
        %dma_wait3A_368 = arith.constant 0 : i32
        %dma_wait3A_369 = arith.constant 0 : i32
        %dma_wait3A_370 = arith.constant 0 : i32
        %dma_wait3A_371 = tpu.memref_slice %arg4[%dma_wait3A_366, %dma_wait3A_367, %dma_wait3A_368, %dma_wait3A_369, %dma_wait3A_370] : memref<2048x8x16x8x128xf32, #tpu.memory_space<hbm>> -> memref<1x1x16x8x128xf32, #tpu.memory_space<hbm>>
        %dma_wait3A_372 = tpu.memref_squeeze %dma_wait3A_371 : memref<1x1x16x8x128xf32, #tpu.memory_space<hbm>> -> memref<16x8x128xf32, #tpu.memory_space<hbm>>
        %dma_wait3A_373 = arith.constant 0 : i32
        %dma_wait3A_374 = arith.constant 0 : i32
        %dma_wait3A_375 = arith.constant 0 : i32
        %dma_wait3A_376 = tpu.memref_slice %arg5[%arg1, %dma_wait3A_365, %dma_wait3A_373, %dma_wait3A_374, %dma_wait3A_375] : memref<16x2x23x8x128xf32, #tpu.memory_space<vmem_shared>> -> memref<1x1x16x8x128xf32, #tpu.memory_space<vmem_shared>>
        %dma_wait3A_377 = tpu.memref_squeeze %dma_wait3A_376 : memref<1x1x16x8x128xf32, #tpu.memory_space<vmem_shared>> -> memref<16x8x128xf32, #tpu.memory_space<vmem_shared>>
        tpu.wait_dma2 semaphore(%arg9 : memref<!tpu.dma_semaphore, #tpu.memory_space<semaphore_mem>>) src(%dma_wait3A_377 : memref<16x8x128xf32, #tpu.memory_space<vmem_shared>>) dst(%dma_wait3A_372 : memref<16x8x128xf32, #tpu.memory_space<hbm>>)
        %dma_wait3A_378 = arith.constant 0 : i32
        %dma_wait3A_379 = arith.constant 0 : i32
        %dma_wait3A_380 = arith.constant 0 : i32
        %dma_wait3A_381 = arith.constant 0 : i32
        %dma_wait3A_382 = arith.constant 0 : i32
        %dma_wait3A_383 = arith.constant 0 : i32
        %dma_wait3A_384 = tpu.memref_slice %arg4[%dma_wait3A_379, %dma_wait3A_380, %dma_wait3A_381, %dma_wait3A_382, %dma_wait3A_383] : memref<2048x8x16x8x128xf32, #tpu.memory_space<hbm>> -> memref<1x1x16x8x128xf32, #tpu.memory_space<hbm>>
        %dma_wait3A_385 = tpu.memref_squeeze %dma_wait3A_384 : memref<1x1x16x8x128xf32, #tpu.memory_space<hbm>> -> memref<16x8x128xf32, #tpu.memory_space<hbm>>
        %dma_wait3A_386 = arith.constant 0 : i32
        %dma_wait3A_387 = arith.constant 0 : i32
        %dma_wait3A_388 = arith.constant 0 : i32
        %dma_wait3A_389 = tpu.memref_slice %arg5[%arg1, %dma_wait3A_378, %dma_wait3A_386, %dma_wait3A_387, %dma_wait3A_388] : memref<16x2x23x8x128xf32, #tpu.memory_space<vmem_shared>> -> memref<1x1x16x8x128xf32, #tpu.memory_space<vmem_shared>>
        %dma_wait3A_390 = tpu.memref_squeeze %dma_wait3A_389 : memref<1x1x16x8x128xf32, #tpu.memory_space<vmem_shared>> -> memref<16x8x128xf32, #tpu.memory_space<vmem_shared>>
        tpu.wait_dma2 semaphore(%arg9 : memref<!tpu.dma_semaphore, #tpu.memory_space<semaphore_mem>>) src(%dma_wait3A_390 : memref<16x8x128xf32, #tpu.memory_space<vmem_shared>>) dst(%dma_wait3A_385 : memref<16x8x128xf32, #tpu.memory_space<hbm>>)
        %dma_wait3A_391 = arith.constant 0 : i32
        %dma_wait3A_392 = arith.constant 0 : i32
        %dma_wait3A_393 = arith.constant 0 : i32
        %dma_wait3A_394 = arith.constant 0 : i32
        %dma_wait3A_395 = arith.constant 0 : i32
        %dma_wait3A_396 = arith.constant 0 : i32
        %dma_wait3A_397 = tpu.memref_slice %arg4[%dma_wait3A_392, %dma_wait3A_393, %dma_wait3A_394, %dma_wait3A_395, %dma_wait3A_396] : memref<2048x8x16x8x128xf32, #tpu.memory_space<hbm>> -> memref<1x1x16x8x128xf32, #tpu.memory_space<hbm>>
        %dma_wait3A_398 = tpu.memref_squeeze %dma_wait3A_397 : memref<1x1x16x8x128xf32, #tpu.memory_space<hbm>> -> memref<16x8x128xf32, #tpu.memory_space<hbm>>
        %dma_wait3A_399 = arith.constant 0 : i32
        %dma_wait3A_400 = arith.constant 0 : i32
        %dma_wait3A_401 = arith.constant 0 : i32
        %dma_wait3A_402 = tpu.memref_slice %arg5[%arg1, %dma_wait3A_391, %dma_wait3A_399, %dma_wait3A_400, %dma_wait3A_401] : memref<16x2x23x8x128xf32, #tpu.memory_space<vmem_shared>> -> memref<1x1x16x8x128xf32, #tpu.memory_space<vmem_shared>>
        %dma_wait3A_403 = tpu.memref_squeeze %dma_wait3A_402 : memref<1x1x16x8x128xf32, #tpu.memory_space<vmem_shared>> -> memref<16x8x128xf32, #tpu.memory_space<vmem_shared>>
        tpu.wait_dma2 semaphore(%arg9 : memref<!tpu.dma_semaphore, #tpu.memory_space<semaphore_mem>>) src(%dma_wait3A_403 : memref<16x8x128xf32, #tpu.memory_space<vmem_shared>>) dst(%dma_wait3A_398 : memref<16x8x128xf32, #tpu.memory_space<hbm>>)
        %dma_wait3A_404 = arith.constant 0 : i32
        %dma_wait3A_405 = arith.constant 0 : i32
        %dma_wait3A_406 = arith.constant 0 : i32
        %dma_wait3A_407 = arith.constant 0 : i32
        %dma_wait3A_408 = arith.constant 0 : i32
        %dma_wait3A_409 = arith.constant 0 : i32
        %dma_wait3A_410 = tpu.memref_slice %arg4[%dma_wait3A_405, %dma_wait3A_406, %dma_wait3A_407, %dma_wait3A_408, %dma_wait3A_409] : memref<2048x8x16x8x128xf32, #tpu.memory_space<hbm>> -> memref<1x1x16x8x128xf32, #tpu.memory_space<hbm>>
        %dma_wait3A_411 = tpu.memref_squeeze %dma_wait3A_410 : memref<1x1x16x8x128xf32, #tpu.memory_space<hbm>> -> memref<16x8x128xf32, #tpu.memory_space<hbm>>
        %dma_wait3A_412 = arith.constant 0 : i32
        %dma_wait3A_413 = arith.constant 0 : i32
        %dma_wait3A_414 = arith.constant 0 : i32
        %dma_wait3A_415 = tpu.memref_slice %arg5[%arg1, %dma_wait3A_404, %dma_wait3A_412, %dma_wait3A_413, %dma_wait3A_414] : memref<16x2x23x8x128xf32, #tpu.memory_space<vmem_shared>> -> memref<1x1x16x8x128xf32, #tpu.memory_space<vmem_shared>>
        %dma_wait3A_416 = tpu.memref_squeeze %dma_wait3A_415 : memref<1x1x16x8x128xf32, #tpu.memory_space<vmem_shared>> -> memref<16x8x128xf32, #tpu.memory_space<vmem_shared>>
        tpu.wait_dma2 semaphore(%arg9 : memref<!tpu.dma_semaphore, #tpu.memory_space<semaphore_mem>>) src(%dma_wait3A_416 : memref<16x8x128xf32, #tpu.memory_space<vmem_shared>>) dst(%dma_wait3A_411 : memref<16x8x128xf32, #tpu.memory_space<hbm>>)
        %dma_wait3A_417 = arith.constant 0 : i32
        %dma_wait3A_418 = arith.constant 0 : i32
        %dma_wait3A_419 = arith.constant 0 : i32
        %dma_wait3A_420 = arith.constant 0 : i32
        %dma_wait3A_421 = arith.constant 0 : i32
        %dma_wait3A_422 = arith.constant 0 : i32
        %dma_wait3A_423 = tpu.memref_slice %arg4[%dma_wait3A_418, %dma_wait3A_419, %dma_wait3A_420, %dma_wait3A_421, %dma_wait3A_422] : memref<2048x8x16x8x128xf32, #tpu.memory_space<hbm>> -> memref<1x1x16x8x128xf32, #tpu.memory_space<hbm>>
        %dma_wait3A_424 = tpu.memref_squeeze %dma_wait3A_423 : memref<1x1x16x8x128xf32, #tpu.memory_space<hbm>> -> memref<16x8x128xf32, #tpu.memory_space<hbm>>
        %dma_wait3A_425 = arith.constant 0 : i32
        %dma_wait3A_426 = arith.constant 0 : i32
        %dma_wait3A_427 = arith.constant 0 : i32
        %dma_wait3A_428 = tpu.memref_slice %arg5[%arg1, %dma_wait3A_417, %dma_wait3A_425, %dma_wait3A_426, %dma_wait3A_427] : memref<16x2x23x8x128xf32, #tpu.memory_space<vmem_shared>> -> memref<1x1x16x8x128xf32, #tpu.memory_space<vmem_shared>>
        %dma_wait3A_429 = tpu.memref_squeeze %dma_wait3A_428 : memref<1x1x16x8x128xf32, #tpu.memory_space<vmem_shared>> -> memref<16x8x128xf32, #tpu.memory_space<vmem_shared>>
        tpu.wait_dma2 semaphore(%arg9 : memref<!tpu.dma_semaphore, #tpu.memory_space<semaphore_mem>>) src(%dma_wait3A_429 : memref<16x8x128xf32, #tpu.memory_space<vmem_shared>>) dst(%dma_wait3A_424 : memref<16x8x128xf32, #tpu.memory_space<hbm>>)
        %dma_wait3A_430 = arith.constant 0 : i32
        %dma_wait3A_431 = arith.constant 0 : i32
        %dma_wait3A_432 = arith.constant 0 : i32
        %dma_wait3A_433 = arith.constant 0 : i32
        %dma_wait3A_434 = arith.constant 0 : i32
        %dma_wait3A_435 = arith.constant 0 : i32
        %dma_wait3A_436 = tpu.memref_slice %arg4[%dma_wait3A_431, %dma_wait3A_432, %dma_wait3A_433, %dma_wait3A_434, %dma_wait3A_435] : memref<2048x8x16x8x128xf32, #tpu.memory_space<hbm>> -> memref<1x1x16x8x128xf32, #tpu.memory_space<hbm>>
        %dma_wait3A_437 = tpu.memref_squeeze %dma_wait3A_436 : memref<1x1x16x8x128xf32, #tpu.memory_space<hbm>> -> memref<16x8x128xf32, #tpu.memory_space<hbm>>
        %dma_wait3A_438 = arith.constant 0 : i32
        %dma_wait3A_439 = arith.constant 0 : i32
        %dma_wait3A_440 = arith.constant 0 : i32
        %dma_wait3A_441 = tpu.memref_slice %arg5[%arg1, %dma_wait3A_430, %dma_wait3A_438, %dma_wait3A_439, %dma_wait3A_440] : memref<16x2x23x8x128xf32, #tpu.memory_space<vmem_shared>> -> memref<1x1x16x8x128xf32, #tpu.memory_space<vmem_shared>>
        %dma_wait3A_442 = tpu.memref_squeeze %dma_wait3A_441 : memref<1x1x16x8x128xf32, #tpu.memory_space<vmem_shared>> -> memref<16x8x128xf32, #tpu.memory_space<vmem_shared>>
        tpu.wait_dma2 semaphore(%arg9 : memref<!tpu.dma_semaphore, #tpu.memory_space<semaphore_mem>>) src(%dma_wait3A_442 : memref<16x8x128xf32, #tpu.memory_space<vmem_shared>>) dst(%dma_wait3A_437 : memref<16x8x128xf32, #tpu.memory_space<hbm>>)
        %dma_wait3A_443 = arith.constant 0 : i32
        %dma_wait3A_444 = arith.constant 0 : i32
        %dma_wait3A_445 = arith.constant 0 : i32
        %dma_wait3A_446 = arith.constant 0 : i32
        %dma_wait3A_447 = arith.constant 0 : i32
        %dma_wait3A_448 = arith.constant 0 : i32
        %dma_wait3A_449 = tpu.memref_slice %arg4[%dma_wait3A_444, %dma_wait3A_445, %dma_wait3A_446, %dma_wait3A_447, %dma_wait3A_448] : memref<2048x8x16x8x128xf32, #tpu.memory_space<hbm>> -> memref<1x1x16x8x128xf32, #tpu.memory_space<hbm>>
        %dma_wait3A_450 = tpu.memref_squeeze %dma_wait3A_449 : memref<1x1x16x8x128xf32, #tpu.memory_space<hbm>> -> memref<16x8x128xf32, #tpu.memory_space<hbm>>
        %dma_wait3A_451 = arith.constant 0 : i32
        %dma_wait3A_452 = arith.constant 0 : i32
        %dma_wait3A_453 = arith.constant 0 : i32
        %dma_wait3A_454 = tpu.memref_slice %arg5[%arg1, %dma_wait3A_443, %dma_wait3A_451, %dma_wait3A_452, %dma_wait3A_453] : memref<16x2x23x8x128xf32, #tpu.memory_space<vmem_shared>> -> memref<1x1x16x8x128xf32, #tpu.memory_space<vmem_shared>>
        %dma_wait3A_455 = tpu.memref_squeeze %dma_wait3A_454 : memref<1x1x16x8x128xf32, #tpu.memory_space<vmem_shared>> -> memref<16x8x128xf32, #tpu.memory_space<vmem_shared>>
        tpu.wait_dma2 semaphore(%arg9 : memref<!tpu.dma_semaphore, #tpu.memory_space<semaphore_mem>>) src(%dma_wait3A_455 : memref<16x8x128xf32, #tpu.memory_space<vmem_shared>>) dst(%dma_wait3A_450 : memref<16x8x128xf32, #tpu.memory_space<hbm>>)
        %dma_wait3A_456 = arith.constant 0 : i32
        %dma_wait3A_457 = arith.constant 0 : i32
        %dma_wait3A_458 = arith.constant 0 : i32
        %dma_wait3A_459 = arith.constant 0 : i32
        %dma_wait3A_460 = arith.constant 0 : i32
        %dma_wait3A_461 = arith.constant 0 : i32
        %dma_wait3A_462 = tpu.memref_slice %arg4[%dma_wait3A_457, %dma_wait3A_458, %dma_wait3A_459, %dma_wait3A_460, %dma_wait3A_461] : memref<2048x8x16x8x128xf32, #tpu.memory_space<hbm>> -> memref<1x1x16x8x128xf32, #tpu.memory_space<hbm>>
        %dma_wait3A_463 = tpu.memref_squeeze %dma_wait3A_462 : memref<1x1x16x8x128xf32, #tpu.memory_space<hbm>> -> memref<16x8x128xf32, #tpu.memory_space<hbm>>
        %dma_wait3A_464 = arith.constant 0 : i32
        %dma_wait3A_465 = arith.constant 0 : i32
        %dma_wait3A_466 = arith.constant 0 : i32
        %dma_wait3A_467 = tpu.memref_slice %arg5[%arg1, %dma_wait3A_456, %dma_wait3A_464, %dma_wait3A_465, %dma_wait3A_466] : memref<16x2x23x8x128xf32, #tpu.memory_space<vmem_shared>> -> memref<1x1x16x8x128xf32, #tpu.memory_space<vmem_shared>>
        %dma_wait3A_468 = tpu.memref_squeeze %dma_wait3A_467 : memref<1x1x16x8x128xf32, #tpu.memory_space<vmem_shared>> -> memref<16x8x128xf32, #tpu.memory_space<vmem_shared>>
        tpu.wait_dma2 semaphore(%arg9 : memref<!tpu.dma_semaphore, #tpu.memory_space<semaphore_mem>>) src(%dma_wait3A_468 : memref<16x8x128xf32, #tpu.memory_space<vmem_shared>>) dst(%dma_wait3A_463 : memref<16x8x128xf32, #tpu.memory_space<hbm>>)
        %dma_wait3A_469 = arith.constant 0 : i32
        %dma_wait3A_470 = arith.constant 0 : i32
        %dma_wait3A_471 = arith.constant 0 : i32
        %dma_wait3A_472 = arith.constant 0 : i32
        %dma_wait3A_473 = arith.constant 0 : i32
        %dma_wait3A_474 = arith.constant 0 : i32
        %dma_wait3A_475 = tpu.memref_slice %arg4[%dma_wait3A_470, %dma_wait3A_471, %dma_wait3A_472, %dma_wait3A_473, %dma_wait3A_474] : memref<2048x8x16x8x128xf32, #tpu.memory_space<hbm>> -> memref<1x1x16x8x128xf32, #tpu.memory_space<hbm>>
        %dma_wait3A_476 = tpu.memref_squeeze %dma_wait3A_475 : memref<1x1x16x8x128xf32, #tpu.memory_space<hbm>> -> memref<16x8x128xf32, #tpu.memory_space<hbm>>
        %dma_wait3A_477 = arith.constant 0 : i32
        %dma_wait3A_478 = arith.constant 0 : i32
        %dma_wait3A_479 = arith.constant 0 : i32
        %dma_wait3A_480 = tpu.memref_slice %arg5[%arg1, %dma_wait3A_469, %dma_wait3A_477, %dma_wait3A_478, %dma_wait3A_479] : memref<16x2x23x8x128xf32, #tpu.memory_space<vmem_shared>> -> memref<1x1x16x8x128xf32, #tpu.memory_space<vmem_shared>>
        %dma_wait3A_481 = tpu.memref_squeeze %dma_wait3A_480 : memref<1x1x16x8x128xf32, #tpu.memory_space<vmem_shared>> -> memref<16x8x128xf32, #tpu.memory_space<vmem_shared>>
        tpu.wait_dma2 semaphore(%arg9 : memref<!tpu.dma_semaphore, #tpu.memory_space<semaphore_mem>>) src(%dma_wait3A_481 : memref<16x8x128xf32, #tpu.memory_space<vmem_shared>>) dst(%dma_wait3A_476 : memref<16x8x128xf32, #tpu.memory_space<hbm>>)
      } else {
      }
      "tpu.region"() ({
        %run_scoped3A = tpu.sem_alloc : memref<!tpu.dma_semaphore, #tpu.memory_space<semaphore_mem>>
        %dma_start3A = arith.constant 0 : i32
        %dma_start3A_274 = arith.constant 0 : i32
        %dma_start3A_275 = arith.constant 0 : i32
        %dma_start3A_276 = arith.constant 0 : i32
        %dma_start3A_277 = tpu.memref_slice %arg5[%arg1, %dma_start3A, %dma_start3A_274, %dma_start3A_275, %dma_start3A_276] : memref<16x2x23x8x128xf32, #tpu.memory_space<vmem_shared>> -> memref<1x2x23x8x128xf32, #tpu.memory_space<vmem_shared>>
        %dma_start3A_278 = tpu.memref_squeeze %dma_start3A_277 : memref<1x2x23x8x128xf32, #tpu.memory_space<vmem_shared>> -> memref<2x23x8x128xf32, #tpu.memory_space<vmem_shared>>
        %dma_start3A_279 = arith.constant 0 : i32
        %dma_start3A_280 = arith.constant 0 : i32
        %dma_start3A_281 = arith.constant 0 : i32
        %dma_start3A_282 = arith.constant 0 : i32
        %dma_start3A_283 = tpu.memref_slice %arg5[%arg1, %dma_start3A_279, %dma_start3A_280, %dma_start3A_281, %dma_start3A_282] : memref<16x2x23x8x128xf32, #tpu.memory_space<vmem_shared>> -> memref<1x2x23x8x128xf32, #tpu.memory_space<vmem_shared>>
        %dma_start3A_284 = tpu.memref_squeeze %dma_start3A_283 : memref<1x2x23x8x128xf32, #tpu.memory_space<vmem_shared>> -> memref<2x23x8x128xf32, #tpu.memory_space<vmem_shared>>
        tpu.enqueue_dma source(%arg6 : memref<2x23x8x128xf32, #tpu.memory_space<vmem>>) target(%dma_start3A_284 : memref<2x23x8x128xf32, #tpu.memory_space<vmem_shared>>) target_semaphore(%run_scoped3A : memref<!tpu.dma_semaphore, #tpu.memory_space<semaphore_mem>>)
        %dma_wait3A_285 = arith.constant 0 : i32
        %dma_wait3A_286 = arith.constant 0 : i32
        %dma_wait3A_287 = arith.constant 0 : i32
        %dma_wait3A_288 = arith.constant 0 : i32
        %dma_wait3A_289 = tpu.memref_slice %arg5[%arg1, %dma_wait3A_285, %dma_wait3A_286, %dma_wait3A_287, %dma_wait3A_288] : memref<16x2x23x8x128xf32, #tpu.memory_space<vmem_shared>> -> memref<1x2x23x8x128xf32, #tpu.memory_space<vmem_shared>>
        %dma_wait3A_290 = tpu.memref_squeeze %dma_wait3A_289 : memref<1x2x23x8x128xf32, #tpu.memory_space<vmem_shared>> -> memref<2x23x8x128xf32, #tpu.memory_space<vmem_shared>>
        %dma_wait3A_291 = arith.constant 0 : i32
        %dma_wait3A_292 = arith.constant 0 : i32
        %dma_wait3A_293 = arith.constant 0 : i32
        %dma_wait3A_294 = arith.constant 0 : i32
        %dma_wait3A_295 = tpu.memref_slice %arg5[%arg1, %dma_wait3A_291, %dma_wait3A_292, %dma_wait3A_293, %dma_wait3A_294] : memref<16x2x23x8x128xf32, #tpu.memory_space<vmem_shared>> -> memref<1x2x23x8x128xf32, #tpu.memory_space<vmem_shared>>
        %dma_wait3A_296 = tpu.memref_squeeze %dma_wait3A_295 : memref<1x2x23x8x128xf32, #tpu.memory_space<vmem_shared>> -> memref<2x23x8x128xf32, #tpu.memory_space<vmem_shared>>
        tpu.wait_dma2 semaphore(%run_scoped3A : memref<!tpu.dma_semaphore, #tpu.memory_space<semaphore_mem>>) src(%arg6 : memref<2x23x8x128xf32, #tpu.memory_space<vmem>>) dst(%dma_wait3A_296 : memref<2x23x8x128xf32, #tpu.memory_space<vmem_shared>>)
        tpu.yield
      }) : () -> ()
      %scan3A_266 = arith.constant 0 : i32
      %scan3A_267 = arith.constant 0 : i32
      %scan3A_268 = arith.constant 8 : i32
      %scan3A_269 = arith.addi %scan3A_267, %scan3A_268 : i32
      %scan3A_270 = arith.constant 1 : i32
      %scan3A_271 = scf.for %scan3A_274 = %scan3A_267 to %scan3A_269 step %scan3A_270 iter_args(%scan3A_275 = %scan3A_266) -> (i32)  : i32 {
        %mul3A_276 = arith.constant 128 : i32
        %mul3A_277 = arith.muli %mul3A_276, %scan3A_274 : i32
        %add3A_278 = arith.addi %add3A_256, %mul3A_277 : i32
        %sub3A_279 = arith.constant 2047 : i32
        %sub3A_280 = arith.subi %sub3A_279, %add3A_278 : i32
        %mul3A_281 = arith.constant 2 : i32
        %mul3A_282 = arith.muli %select_n3A_30, %mul3A_281 : i32
        %add3A_283 = arith.constant 0 : i32
        %add3A_284 = arith.addi %mul3A_282, %add3A_283 : i32
        %dma_start3A = arith.constant 0 : i32
        %dma_start3A_285 = arith.constant 0 : i32
        %dma_start3A_286 = arith.constant 0 : i32
        %dma_start3A_287 = arith.constant 0 : i32
        %dma_start3A_288 = tpu.memref_slice %arg4[%sub3A_280, %add3A_284, %dma_start3A_285, %dma_start3A_286, %dma_start3A_287] : memref<2048x8x16x8x128xf32, #tpu.memory_space<hbm>> -> memref<1x1x16x8x128xf32, #tpu.memory_space<hbm>>
        %dma_start3A_289 = tpu.memref_squeeze %dma_start3A_288 : memref<1x1x16x8x128xf32, #tpu.memory_space<hbm>> -> memref<16x8x128xf32, #tpu.memory_space<hbm>>
        %dma_start3A_290 = arith.constant 0 : i32
        %dma_start3A_291 = arith.constant 0 : i32
        %dma_start3A_292 = tpu.memref_slice %arg5[%arg1, %dma_start3A, %scan3A_274, %dma_start3A_290, %dma_start3A_291] : memref<16x2x23x8x128xf32, #tpu.memory_space<vmem_shared>> -> memref<1x1x16x8x128xf32, #tpu.memory_space<vmem_shared>>
        %dma_start3A_293 = tpu.memref_squeeze %dma_start3A_292 : memref<1x1x16x8x128xf32, #tpu.memory_space<vmem_shared>> -> memref<16x8x128xf32, #tpu.memory_space<vmem_shared>>
        tpu.enqueue_dma source(%dma_start3A_293 : memref<16x8x128xf32, #tpu.memory_space<vmem_shared>>) target(%dma_start3A_289 : memref<16x8x128xf32, #tpu.memory_space<hbm>>) target_semaphore(%arg9 : memref<!tpu.dma_semaphore, #tpu.memory_space<semaphore_mem>>)
        %mul3A_294 = arith.constant 2 : i32
        %mul3A_295 = arith.muli %select_n3A_30, %mul3A_294 : i32
        %add3A_296 = arith.constant 1 : i32
        %add3A_297 = arith.addi %mul3A_295, %add3A_296 : i32
        %dma_start3A_298 = arith.constant 1 : i32
        %dma_start3A_299 = arith.constant 0 : i32
        %dma_start3A_300 = arith.constant 0 : i32
        %dma_start3A_301 = arith.constant 0 : i32
        %dma_start3A_302 = tpu.memref_slice %arg4[%sub3A_280, %add3A_297, %dma_start3A_299, %dma_start3A_300, %dma_start3A_301] : memref<2048x8x16x8x128xf32, #tpu.memory_space<hbm>> -> memref<1x1x16x8x128xf32, #tpu.memory_space<hbm>>
        %dma_start3A_303 = tpu.memref_squeeze %dma_start3A_302 : memref<1x1x16x8x128xf32, #tpu.memory_space<hbm>> -> memref<16x8x128xf32, #tpu.memory_space<hbm>>
        %dma_start3A_304 = arith.constant 0 : i32
        %dma_start3A_305 = arith.constant 0 : i32
        %dma_start3A_306 = tpu.memref_slice %arg5[%arg1, %dma_start3A_298, %scan3A_274, %dma_start3A_304, %dma_start3A_305] : memref<16x2x23x8x128xf32, #tpu.memory_space<vmem_shared>> -> memref<1x1x16x8x128xf32, #tpu.memory_space<vmem_shared>>
        %dma_start3A_307 = tpu.memref_squeeze %dma_start3A_306 : memref<1x1x16x8x128xf32, #tpu.memory_space<vmem_shared>> -> memref<16x8x128xf32, #tpu.memory_space<vmem_shared>>
        tpu.enqueue_dma source(%dma_start3A_307 : memref<16x8x128xf32, #tpu.memory_space<vmem_shared>>) target(%dma_start3A_303 : memref<16x8x128xf32, #tpu.memory_space<hbm>>) target_semaphore(%arg9 : memref<!tpu.dma_semaphore, #tpu.memory_space<semaphore_mem>>)
        %scan3A_308 = arith.constant 0 : i32
        scf.yield %scan3A_308 : i32
      }
      %scan3A_272 = arith.constant 8 : i32
      %scan3A_273 = arith.constant 0 : i32
      scf.yield %scan3A_273 : i32
    }
    %scan3A_43 = arith.constant 32 : i32
    %dma_wait3A = arith.constant 0 : i32
    %dma_wait3A_44 = arith.constant 0 : i32
    %dma_wait3A_45 = arith.constant 0 : i32
    %dma_wait3A_46 = arith.constant 0 : i32
    %dma_wait3A_47 = arith.constant 0 : i32
    %dma_wait3A_48 = arith.constant 0 : i32
    %dma_wait3A_49 = tpu.memref_slice %arg4[%dma_wait3A_44, %dma_wait3A_45, %dma_wait3A_46, %dma_wait3A_47, %dma_wait3A_48] : memref<2048x8x16x8x128xf32, #tpu.memory_space<hbm>> -> memref<1x1x16x8x128xf32, #tpu.memory_space<hbm>>
    %dma_wait3A_50 = tpu.memref_squeeze %dma_wait3A_49 : memref<1x1x16x8x128xf32, #tpu.memory_space<hbm>> -> memref<16x8x128xf32, #tpu.memory_space<hbm>>
    %dma_wait3A_51 = arith.constant 0 : i32
    %dma_wait3A_52 = arith.constant 0 : i32
    %dma_wait3A_53 = arith.constant 0 : i32
    %dma_wait3A_54 = tpu.memref_slice %arg5[%arg1, %dma_wait3A, %dma_wait3A_51, %dma_wait3A_52, %dma_wait3A_53] : memref<16x2x23x8x128xf32, #tpu.memory_space<vmem_shared>> -> memref<1x1x16x8x128xf32, #tpu.memory_space<vmem_shared>>
    %dma_wait3A_55 = tpu.memref_squeeze %dma_wait3A_54 : memref<1x1x16x8x128xf32, #tpu.memory_space<vmem_shared>> -> memref<16x8x128xf32, #tpu.memory_space<vmem_shared>>
    tpu.wait_dma2 semaphore(%arg9 : memref<!tpu.dma_semaphore, #tpu.memory_space<semaphore_mem>>) src(%dma_wait3A_55 : memref<16x8x128xf32, #tpu.memory_space<vmem_shared>>) dst(%dma_wait3A_50 : memref<16x8x128xf32, #tpu.memory_space<hbm>>)
    %dma_wait3A_56 = arith.constant 0 : i32
    %dma_wait3A_57 = arith.constant 0 : i32
    %dma_wait3A_58 = arith.constant 0 : i32
    %dma_wait3A_59 = arith.constant 0 : i32
    %dma_wait3A_60 = arith.constant 0 : i32
    %dma_wait3A_61 = arith.constant 0 : i32
    %dma_wait3A_62 = tpu.memref_slice %arg4[%dma_wait3A_57, %dma_wait3A_58, %dma_wait3A_59, %dma_wait3A_60, %dma_wait3A_61] : memref<2048x8x16x8x128xf32, #tpu.memory_space<hbm>> -> memref<1x1x16x8x128xf32, #tpu.memory_space<hbm>>
    %dma_wait3A_63 = tpu.memref_squeeze %dma_wait3A_62 : memref<1x1x16x8x128xf32, #tpu.memory_space<hbm>> -> memref<16x8x128xf32, #tpu.memory_space<hbm>>
    %dma_wait3A_64 = arith.constant 0 : i32
    %dma_wait3A_65 = arith.constant 0 : i32
    %dma_wait3A_66 = arith.constant 0 : i32
    %dma_wait3A_67 = tpu.memref_slice %arg5[%arg1, %dma_wait3A_56, %dma_wait3A_64, %dma_wait3A_65, %dma_wait3A_66] : memref<16x2x23x8x128xf32, #tpu.memory_space<vmem_shared>> -> memref<1x1x16x8x128xf32, #tpu.memory_space<vmem_shared>>
    %dma_wait3A_68 = tpu.memref_squeeze %dma_wait3A_67 : memref<1x1x16x8x128xf32, #tpu.memory_space<vmem_shared>> -> memref<16x8x128xf32, #tpu.memory_space<vmem_shared>>
    tpu.wait_dma2 semaphore(%arg9 : memref<!tpu.dma_semaphore, #tpu.memory_space<semaphore_mem>>) src(%dma_wait3A_68 : memref<16x8x128xf32, #tpu.memory_space<vmem_shared>>) dst(%dma_wait3A_63 : memref<16x8x128xf32, #tpu.memory_space<hbm>>)
    %dma_wait3A_69 = arith.constant 0 : i32
    %dma_wait3A_70 = arith.constant 0 : i32
    %dma_wait3A_71 = arith.constant 0 : i32
    %dma_wait3A_72 = arith.constant 0 : i32
    %dma_wait3A_73 = arith.constant 0 : i32
    %dma_wait3A_74 = arith.constant 0 : i32
    %dma_wait3A_75 = tpu.memref_slice %arg4[%dma_wait3A_70, %dma_wait3A_71, %dma_wait3A_72, %dma_wait3A_73, %dma_wait3A_74] : memref<2048x8x16x8x128xf32, #tpu.memory_space<hbm>> -> memref<1x1x16x8x128xf32, #tpu.memory_space<hbm>>
    %dma_wait3A_76 = tpu.memref_squeeze %dma_wait3A_75 : memref<1x1x16x8x128xf32, #tpu.memory_space<hbm>> -> memref<16x8x128xf32, #tpu.memory_space<hbm>>
    %dma_wait3A_77 = arith.constant 0 : i32
    %dma_wait3A_78 = arith.constant 0 : i32
    %dma_wait3A_79 = arith.constant 0 : i32
    %dma_wait3A_80 = tpu.memref_slice %arg5[%arg1, %dma_wait3A_69, %dma_wait3A_77, %dma_wait3A_78, %dma_wait3A_79] : memref<16x2x23x8x128xf32, #tpu.memory_space<vmem_shared>> -> memref<1x1x16x8x128xf32, #tpu.memory_space<vmem_shared>>
    %dma_wait3A_81 = tpu.memref_squeeze %dma_wait3A_80 : memref<1x1x16x8x128xf32, #tpu.memory_space<vmem_shared>> -> memref<16x8x128xf32, #tpu.memory_space<vmem_shared>>
    tpu.wait_dma2 semaphore(%arg9 : memref<!tpu.dma_semaphore, #tpu.memory_space<semaphore_mem>>) src(%dma_wait3A_81 : memref<16x8x128xf32, #tpu.memory_space<vmem_shared>>) dst(%dma_wait3A_76 : memref<16x8x128xf32, #tpu.memory_space<hbm>>)
    %dma_wait3A_82 = arith.constant 0 : i32
    %dma_wait3A_83 = arith.constant 0 : i32
    %dma_wait3A_84 = arith.constant 0 : i32
    %dma_wait3A_85 = arith.constant 0 : i32
    %dma_wait3A_86 = arith.constant 0 : i32
    %dma_wait3A_87 = arith.constant 0 : i32
    %dma_wait3A_88 = tpu.memref_slice %arg4[%dma_wait3A_83, %dma_wait3A_84, %dma_wait3A_85, %dma_wait3A_86, %dma_wait3A_87] : memref<2048x8x16x8x128xf32, #tpu.memory_space<hbm>> -> memref<1x1x16x8x128xf32, #tpu.memory_space<hbm>>
    %dma_wait3A_89 = tpu.memref_squeeze %dma_wait3A_88 : memref<1x1x16x8x128xf32, #tpu.memory_space<hbm>> -> memref<16x8x128xf32, #tpu.memory_space<hbm>>
    %dma_wait3A_90 = arith.constant 0 : i32
    %dma_wait3A_91 = arith.constant 0 : i32
    %dma_wait3A_92 = arith.constant 0 : i32
    %dma_wait3A_93 = tpu.memref_slice %arg5[%arg1, %dma_wait3A_82, %dma_wait3A_90, %dma_wait3A_91, %dma_wait3A_92] : memref<16x2x23x8x128xf32, #tpu.memory_space<vmem_shared>> -> memref<1x1x16x8x128xf32, #tpu.memory_space<vmem_shared>>
    %dma_wait3A_94 = tpu.memref_squeeze %dma_wait3A_93 : memref<1x1x16x8x128xf32, #tpu.memory_space<vmem_shared>> -> memref<16x8x128xf32, #tpu.memory_space<vmem_shared>>
    tpu.wait_dma2 semaphore(%arg9 : memref<!tpu.dma_semaphore, #tpu.memory_space<semaphore_mem>>) src(%dma_wait3A_94 : memref<16x8x128xf32, #tpu.memory_space<vmem_shared>>) dst(%dma_wait3A_89 : memref<16x8x128xf32, #tpu.memory_space<hbm>>)
    %dma_wait3A_95 = arith.constant 0 : i32
    %dma_wait3A_96 = arith.constant 0 : i32
    %dma_wait3A_97 = arith.constant 0 : i32
    %dma_wait3A_98 = arith.constant 0 : i32
    %dma_wait3A_99 = arith.constant 0 : i32
    %dma_wait3A_100 = arith.constant 0 : i32
    %dma_wait3A_101 = tpu.memref_slice %arg4[%dma_wait3A_96, %dma_wait3A_97, %dma_wait3A_98, %dma_wait3A_99, %dma_wait3A_100] : memref<2048x8x16x8x128xf32, #tpu.memory_space<hbm>> -> memref<1x1x16x8x128xf32, #tpu.memory_space<hbm>>
    %dma_wait3A_102 = tpu.memref_squeeze %dma_wait3A_101 : memref<1x1x16x8x128xf32, #tpu.memory_space<hbm>> -> memref<16x8x128xf32, #tpu.memory_space<hbm>>
    %dma_wait3A_103 = arith.constant 0 : i32
    %dma_wait3A_104 = arith.constant 0 : i32
    %dma_wait3A_105 = arith.constant 0 : i32
    %dma_wait3A_106 = tpu.memref_slice %arg5[%arg1, %dma_wait3A_95, %dma_wait3A_103, %dma_wait3A_104, %dma_wait3A_105] : memref<16x2x23x8x128xf32, #tpu.memory_space<vmem_shared>> -> memref<1x1x16x8x128xf32, #tpu.memory_space<vmem_shared>>
    %dma_wait3A_107 = tpu.memref_squeeze %dma_wait3A_106 : memref<1x1x16x8x128xf32, #tpu.memory_space<vmem_shared>> -> memref<16x8x128xf32, #tpu.memory_space<vmem_shared>>
    tpu.wait_dma2 semaphore(%arg9 : memref<!tpu.dma_semaphore, #tpu.memory_space<semaphore_mem>>) src(%dma_wait3A_107 : memref<16x8x128xf32, #tpu.memory_space<vmem_shared>>) dst(%dma_wait3A_102 : memref<16x8x128xf32, #tpu.memory_space<hbm>>)
    %dma_wait3A_108 = arith.constant 0 : i32
    %dma_wait3A_109 = arith.constant 0 : i32
    %dma_wait3A_110 = arith.constant 0 : i32
    %dma_wait3A_111 = arith.constant 0 : i32
    %dma_wait3A_112 = arith.constant 0 : i32
    %dma_wait3A_113 = arith.constant 0 : i32
    %dma_wait3A_114 = tpu.memref_slice %arg4[%dma_wait3A_109, %dma_wait3A_110, %dma_wait3A_111, %dma_wait3A_112, %dma_wait3A_113] : memref<2048x8x16x8x128xf32, #tpu.memory_space<hbm>> -> memref<1x1x16x8x128xf32, #tpu.memory_space<hbm>>
    %dma_wait3A_115 = tpu.memref_squeeze %dma_wait3A_114 : memref<1x1x16x8x128xf32, #tpu.memory_space<hbm>> -> memref<16x8x128xf32, #tpu.memory_space<hbm>>
    %dma_wait3A_116 = arith.constant 0 : i32
    %dma_wait3A_117 = arith.constant 0 : i32
    %dma_wait3A_118 = arith.constant 0 : i32
    %dma_wait3A_119 = tpu.memref_slice %arg5[%arg1, %dma_wait3A_108, %dma_wait3A_116, %dma_wait3A_117, %dma_wait3A_118] : memref<16x2x23x8x128xf32, #tpu.memory_space<vmem_shared>> -> memref<1x1x16x8x128xf32, #tpu.memory_space<vmem_shared>>
    %dma_wait3A_120 = tpu.memref_squeeze %dma_wait3A_119 : memref<1x1x16x8x128xf32, #tpu.memory_space<vmem_shared>> -> memref<16x8x128xf32, #tpu.memory_space<vmem_shared>>
    tpu.wait_dma2 semaphore(%arg9 : memref<!tpu.dma_semaphore, #tpu.memory_space<semaphore_mem>>) src(%dma_wait3A_120 : memref<16x8x128xf32, #tpu.memory_space<vmem_shared>>) dst(%dma_wait3A_115 : memref<16x8x128xf32, #tpu.memory_space<hbm>>)
    %dma_wait3A_121 = arith.constant 0 : i32
    %dma_wait3A_122 = arith.constant 0 : i32
    %dma_wait3A_123 = arith.constant 0 : i32
    %dma_wait3A_124 = arith.constant 0 : i32
    %dma_wait3A_125 = arith.constant 0 : i32
    %dma_wait3A_126 = arith.constant 0 : i32
    %dma_wait3A_127 = tpu.memref_slice %arg4[%dma_wait3A_122, %dma_wait3A_123, %dma_wait3A_124, %dma_wait3A_125, %dma_wait3A_126] : memref<2048x8x16x8x128xf32, #tpu.memory_space<hbm>> -> memref<1x1x16x8x128xf32, #tpu.memory_space<hbm>>
    %dma_wait3A_128 = tpu.memref_squeeze %dma_wait3A_127 : memref<1x1x16x8x128xf32, #tpu.memory_space<hbm>> -> memref<16x8x128xf32, #tpu.memory_space<hbm>>
    %dma_wait3A_129 = arith.constant 0 : i32
    %dma_wait3A_130 = arith.constant 0 : i32
    %dma_wait3A_131 = arith.constant 0 : i32
    %dma_wait3A_132 = tpu.memref_slice %arg5[%arg1, %dma_wait3A_121, %dma_wait3A_129, %dma_wait3A_130, %dma_wait3A_131] : memref<16x2x23x8x128xf32, #tpu.memory_space<vmem_shared>> -> memref<1x1x16x8x128xf32, #tpu.memory_space<vmem_shared>>
    %dma_wait3A_133 = tpu.memref_squeeze %dma_wait3A_132 : memref<1x1x16x8x128xf32, #tpu.memory_space<vmem_shared>> -> memref<16x8x128xf32, #tpu.memory_space<vmem_shared>>
    tpu.wait_dma2 semaphore(%arg9 : memref<!tpu.dma_semaphore, #tpu.memory_space<semaphore_mem>>) src(%dma_wait3A_133 : memref<16x8x128xf32, #tpu.memory_space<vmem_shared>>) dst(%dma_wait3A_128 : memref<16x8x128xf32, #tpu.memory_space<hbm>>)
    %dma_wait3A_134 = arith.constant 0 : i32
    %dma_wait3A_135 = arith.constant 0 : i32
    %dma_wait3A_136 = arith.constant 0 : i32
    %dma_wait3A_137 = arith.constant 0 : i32
    %dma_wait3A_138 = arith.constant 0 : i32
    %dma_wait3A_139 = arith.constant 0 : i32
    %dma_wait3A_140 = tpu.memref_slice %arg4[%dma_wait3A_135, %dma_wait3A_136, %dma_wait3A_137, %dma_wait3A_138, %dma_wait3A_139] : memref<2048x8x16x8x128xf32, #tpu.memory_space<hbm>> -> memref<1x1x16x8x128xf32, #tpu.memory_space<hbm>>
    %dma_wait3A_141 = tpu.memref_squeeze %dma_wait3A_140 : memref<1x1x16x8x128xf32, #tpu.memory_space<hbm>> -> memref<16x8x128xf32, #tpu.memory_space<hbm>>
    %dma_wait3A_142 = arith.constant 0 : i32
    %dma_wait3A_143 = arith.constant 0 : i32
    %dma_wait3A_144 = arith.constant 0 : i32
    %dma_wait3A_145 = tpu.memref_slice %arg5[%arg1, %dma_wait3A_134, %dma_wait3A_142, %dma_wait3A_143, %dma_wait3A_144] : memref<16x2x23x8x128xf32, #tpu.memory_space<vmem_shared>> -> memref<1x1x16x8x128xf32, #tpu.memory_space<vmem_shared>>
    %dma_wait3A_146 = tpu.memref_squeeze %dma_wait3A_145 : memref<1x1x16x8x128xf32, #tpu.memory_space<vmem_shared>> -> memref<16x8x128xf32, #tpu.memory_space<vmem_shared>>
    tpu.wait_dma2 semaphore(%arg9 : memref<!tpu.dma_semaphore, #tpu.memory_space<semaphore_mem>>) src(%dma_wait3A_146 : memref<16x8x128xf32, #tpu.memory_space<vmem_shared>>) dst(%dma_wait3A_141 : memref<16x8x128xf32, #tpu.memory_space<hbm>>)
    %dma_wait3A_147 = arith.constant 0 : i32
    %dma_wait3A_148 = arith.constant 0 : i32
    %dma_wait3A_149 = arith.constant 0 : i32
    %dma_wait3A_150 = arith.constant 0 : i32
    %dma_wait3A_151 = arith.constant 0 : i32
    %dma_wait3A_152 = arith.constant 0 : i32
    %dma_wait3A_153 = tpu.memref_slice %arg4[%dma_wait3A_148, %dma_wait3A_149, %dma_wait3A_150, %dma_wait3A_151, %dma_wait3A_152] : memref<2048x8x16x8x128xf32, #tpu.memory_space<hbm>> -> memref<1x1x16x8x128xf32, #tpu.memory_space<hbm>>
    %dma_wait3A_154 = tpu.memref_squeeze %dma_wait3A_153 : memref<1x1x16x8x128xf32, #tpu.memory_space<hbm>> -> memref<16x8x128xf32, #tpu.memory_space<hbm>>
    %dma_wait3A_155 = arith.constant 0 : i32
    %dma_wait3A_156 = arith.constant 0 : i32
    %dma_wait3A_157 = arith.constant 0 : i32
    %dma_wait3A_158 = tpu.memref_slice %arg5[%arg1, %dma_wait3A_147, %dma_wait3A_155, %dma_wait3A_156, %dma_wait3A_157] : memref<16x2x23x8x128xf32, #tpu.memory_space<vmem_shared>> -> memref<1x1x16x8x128xf32, #tpu.memory_space<vmem_shared>>
    %dma_wait3A_159 = tpu.memref_squeeze %dma_wait3A_158 : memref<1x1x16x8x128xf32, #tpu.memory_space<vmem_shared>> -> memref<16x8x128xf32, #tpu.memory_space<vmem_shared>>
    tpu.wait_dma2 semaphore(%arg9 : memref<!tpu.dma_semaphore, #tpu.memory_space<semaphore_mem>>) src(%dma_wait3A_159 : memref<16x8x128xf32, #tpu.memory_space<vmem_shared>>) dst(%dma_wait3A_154 : memref<16x8x128xf32, #tpu.memory_space<hbm>>)
    %dma_wait3A_160 = arith.constant 0 : i32
    %dma_wait3A_161 = arith.constant 0 : i32
    %dma_wait3A_162 = arith.constant 0 : i32
    %dma_wait3A_163 = arith.constant 0 : i32
    %dma_wait3A_164 = arith.constant 0 : i32
    %dma_wait3A_165 = arith.constant 0 : i32
    %dma_wait3A_166 = tpu.memref_slice %arg4[%dma_wait3A_161, %dma_wait3A_162, %dma_wait3A_163, %dma_wait3A_164, %dma_wait3A_165] : memref<2048x8x16x8x128xf32, #tpu.memory_space<hbm>> -> memref<1x1x16x8x128xf32, #tpu.memory_space<hbm>>
    %dma_wait3A_167 = tpu.memref_squeeze %dma_wait3A_166 : memref<1x1x16x8x128xf32, #tpu.memory_space<hbm>> -> memref<16x8x128xf32, #tpu.memory_space<hbm>>
    %dma_wait3A_168 = arith.constant 0 : i32
    %dma_wait3A_169 = arith.constant 0 : i32
    %dma_wait3A_170 = arith.constant 0 : i32
    %dma_wait3A_171 = tpu.memref_slice %arg5[%arg1, %dma_wait3A_160, %dma_wait3A_168, %dma_wait3A_169, %dma_wait3A_170] : memref<16x2x23x8x128xf32, #tpu.memory_space<vmem_shared>> -> memref<1x1x16x8x128xf32, #tpu.memory_space<vmem_shared>>
    %dma_wait3A_172 = tpu.memref_squeeze %dma_wait3A_171 : memref<1x1x16x8x128xf32, #tpu.memory_space<vmem_shared>> -> memref<16x8x128xf32, #tpu.memory_space<vmem_shared>>
    tpu.wait_dma2 semaphore(%arg9 : memref<!tpu.dma_semaphore, #tpu.memory_space<semaphore_mem>>) src(%dma_wait3A_172 : memref<16x8x128xf32, #tpu.memory_space<vmem_shared>>) dst(%dma_wait3A_167 : memref<16x8x128xf32, #tpu.memory_space<hbm>>)
    %dma_wait3A_173 = arith.constant 0 : i32
    %dma_wait3A_174 = arith.constant 0 : i32
    %dma_wait3A_175 = arith.constant 0 : i32
    %dma_wait3A_176 = arith.constant 0 : i32
    %dma_wait3A_177 = arith.constant 0 : i32
    %dma_wait3A_178 = arith.constant 0 : i32
    %dma_wait3A_179 = tpu.memref_slice %arg4[%dma_wait3A_174, %dma_wait3A_175, %dma_wait3A_176, %dma_wait3A_177, %dma_wait3A_178] : memref<2048x8x16x8x128xf32, #tpu.memory_space<hbm>> -> memref<1x1x16x8x128xf32, #tpu.memory_space<hbm>>
    %dma_wait3A_180 = tpu.memref_squeeze %dma_wait3A_179 : memref<1x1x16x8x128xf32, #tpu.memory_space<hbm>> -> memref<16x8x128xf32, #tpu.memory_space<hbm>>
    %dma_wait3A_181 = arith.constant 0 : i32
    %dma_wait3A_182 = arith.constant 0 : i32
    %dma_wait3A_183 = arith.constant 0 : i32
    %dma_wait3A_184 = tpu.memref_slice %arg5[%arg1, %dma_wait3A_173, %dma_wait3A_181, %dma_wait3A_182, %dma_wait3A_183] : memref<16x2x23x8x128xf32, #tpu.memory_space<vmem_shared>> -> memref<1x1x16x8x128xf32, #tpu.memory_space<vmem_shared>>
    %dma_wait3A_185 = tpu.memref_squeeze %dma_wait3A_184 : memref<1x1x16x8x128xf32, #tpu.memory_space<vmem_shared>> -> memref<16x8x128xf32, #tpu.memory_space<vmem_shared>>
    tpu.wait_dma2 semaphore(%arg9 : memref<!tpu.dma_semaphore, #tpu.memory_space<semaphore_mem>>) src(%dma_wait3A_185 : memref<16x8x128xf32, #tpu.memory_space<vmem_shared>>) dst(%dma_wait3A_180 : memref<16x8x128xf32, #tpu.memory_space<hbm>>)
    %dma_wait3A_186 = arith.constant 0 : i32
    %dma_wait3A_187 = arith.constant 0 : i32
    %dma_wait3A_188 = arith.constant 0 : i32
    %dma_wait3A_189 = arith.constant 0 : i32
    %dma_wait3A_190 = arith.constant 0 : i32
    %dma_wait3A_191 = arith.constant 0 : i32
    %dma_wait3A_192 = tpu.memref_slice %arg4[%dma_wait3A_187, %dma_wait3A_188, %dma_wait3A_189, %dma_wait3A_190, %dma_wait3A_191] : memref<2048x8x16x8x128xf32, #tpu.memory_space<hbm>> -> memref<1x1x16x8x128xf32, #tpu.memory_space<hbm>>
    %dma_wait3A_193 = tpu.memref_squeeze %dma_wait3A_192 : memref<1x1x16x8x128xf32, #tpu.memory_space<hbm>> -> memref<16x8x128xf32, #tpu.memory_space<hbm>>
    %dma_wait3A_194 = arith.constant 0 : i32
    %dma_wait3A_195 = arith.constant 0 : i32
    %dma_wait3A_196 = arith.constant 0 : i32
    %dma_wait3A_197 = tpu.memref_slice %arg5[%arg1, %dma_wait3A_186, %dma_wait3A_194, %dma_wait3A_195, %dma_wait3A_196] : memref<16x2x23x8x128xf32, #tpu.memory_space<vmem_shared>> -> memref<1x1x16x8x128xf32, #tpu.memory_space<vmem_shared>>
    %dma_wait3A_198 = tpu.memref_squeeze %dma_wait3A_197 : memref<1x1x16x8x128xf32, #tpu.memory_space<vmem_shared>> -> memref<16x8x128xf32, #tpu.memory_space<vmem_shared>>
    tpu.wait_dma2 semaphore(%arg9 : memref<!tpu.dma_semaphore, #tpu.memory_space<semaphore_mem>>) src(%dma_wait3A_198 : memref<16x8x128xf32, #tpu.memory_space<vmem_shared>>) dst(%dma_wait3A_193 : memref<16x8x128xf32, #tpu.memory_space<hbm>>)
    %dma_wait3A_199 = arith.constant 0 : i32
    %dma_wait3A_200 = arith.constant 0 : i32
    %dma_wait3A_201 = arith.constant 0 : i32
    %dma_wait3A_202 = arith.constant 0 : i32
    %dma_wait3A_203 = arith.constant 0 : i32
    %dma_wait3A_204 = arith.constant 0 : i32
    %dma_wait3A_205 = tpu.memref_slice %arg4[%dma_wait3A_200, %dma_wait3A_201, %dma_wait3A_202, %dma_wait3A_203, %dma_wait3A_204] : memref<2048x8x16x8x128xf32, #tpu.memory_space<hbm>> -> memref<1x1x16x8x128xf32, #tpu.memory_space<hbm>>
    %dma_wait3A_206 = tpu.memref_squeeze %dma_wait3A_205 : memref<1x1x16x8x128xf32, #tpu.memory_space<hbm>> -> memref<16x8x128xf32, #tpu.memory_space<hbm>>
    %dma_wait3A_207 = arith.constant 0 : i32
    %dma_wait3A_208 = arith.constant 0 : i32
    %dma_wait3A_209 = arith.constant 0 : i32
    %dma_wait3A_210 = tpu.memref_slice %arg5[%arg1, %dma_wait3A_199, %dma_wait3A_207, %dma_wait3A_208, %dma_wait3A_209] : memref<16x2x23x8x128xf32, #tpu.memory_space<vmem_shared>> -> memref<1x1x16x8x128xf32, #tpu.memory_space<vmem_shared>>
    %dma_wait3A_211 = tpu.memref_squeeze %dma_wait3A_210 : memref<1x1x16x8x128xf32, #tpu.memory_space<vmem_shared>> -> memref<16x8x128xf32, #tpu.memory_space<vmem_shared>>
    tpu.wait_dma2 semaphore(%arg9 : memref<!tpu.dma_semaphore, #tpu.memory_space<semaphore_mem>>) src(%dma_wait3A_211 : memref<16x8x128xf32, #tpu.memory_space<vmem_shared>>) dst(%dma_wait3A_206 : memref<16x8x128xf32, #tpu.memory_space<hbm>>)
    %dma_wait3A_212 = arith.constant 0 : i32
    %dma_wait3A_213 = arith.constant 0 : i32
    %dma_wait3A_214 = arith.constant 0 : i32
    %dma_wait3A_215 = arith.constant 0 : i32
    %dma_wait3A_216 = arith.constant 0 : i32
    %dma_wait3A_217 = arith.constant 0 : i32
    %dma_wait3A_218 = tpu.memref_slice %arg4[%dma_wait3A_213, %dma_wait3A_214, %dma_wait3A_215, %dma_wait3A_216, %dma_wait3A_217] : memref<2048x8x16x8x128xf32, #tpu.memory_space<hbm>> -> memref<1x1x16x8x128xf32, #tpu.memory_space<hbm>>
    %dma_wait3A_219 = tpu.memref_squeeze %dma_wait3A_218 : memref<1x1x16x8x128xf32, #tpu.memory_space<hbm>> -> memref<16x8x128xf32, #tpu.memory_space<hbm>>
    %dma_wait3A_220 = arith.constant 0 : i32
    %dma_wait3A_221 = arith.constant 0 : i32
    %dma_wait3A_222 = arith.constant 0 : i32
    %dma_wait3A_223 = tpu.memref_slice %arg5[%arg1, %dma_wait3A_212, %dma_wait3A_220, %dma_wait3A_221, %dma_wait3A_222] : memref<16x2x23x8x128xf32, #tpu.memory_space<vmem_shared>> -> memref<1x1x16x8x128xf32, #tpu.memory_space<vmem_shared>>
    %dma_wait3A_224 = tpu.memref_squeeze %dma_wait3A_223 : memref<1x1x16x8x128xf32, #tpu.memory_space<vmem_shared>> -> memref<16x8x128xf32, #tpu.memory_space<vmem_shared>>
    tpu.wait_dma2 semaphore(%arg9 : memref<!tpu.dma_semaphore, #tpu.memory_space<semaphore_mem>>) src(%dma_wait3A_224 : memref<16x8x128xf32, #tpu.memory_space<vmem_shared>>) dst(%dma_wait3A_219 : memref<16x8x128xf32, #tpu.memory_space<hbm>>)
    %dma_wait3A_225 = arith.constant 0 : i32
    %dma_wait3A_226 = arith.constant 0 : i32
    %dma_wait3A_227 = arith.constant 0 : i32
    %dma_wait3A_228 = arith.constant 0 : i32
    %dma_wait3A_229 = arith.constant 0 : i32
    %dma_wait3A_230 = arith.constant 0 : i32
    %dma_wait3A_231 = tpu.memref_slice %arg4[%dma_wait3A_226, %dma_wait3A_227, %dma_wait3A_228, %dma_wait3A_229, %dma_wait3A_230] : memref<2048x8x16x8x128xf32, #tpu.memory_space<hbm>> -> memref<1x1x16x8x128xf32, #tpu.memory_space<hbm>>
    %dma_wait3A_232 = tpu.memref_squeeze %dma_wait3A_231 : memref<1x1x16x8x128xf32, #tpu.memory_space<hbm>> -> memref<16x8x128xf32, #tpu.memory_space<hbm>>
    %dma_wait3A_233 = arith.constant 0 : i32
    %dma_wait3A_234 = arith.constant 0 : i32
    %dma_wait3A_235 = arith.constant 0 : i32
    %dma_wait3A_236 = tpu.memref_slice %arg5[%arg1, %dma_wait3A_225, %dma_wait3A_233, %dma_wait3A_234, %dma_wait3A_235] : memref<16x2x23x8x128xf32, #tpu.memory_space<vmem_shared>> -> memref<1x1x16x8x128xf32, #tpu.memory_space<vmem_shared>>
    %dma_wait3A_237 = tpu.memref_squeeze %dma_wait3A_236 : memref<1x1x16x8x128xf32, #tpu.memory_space<vmem_shared>> -> memref<16x8x128xf32, #tpu.memory_space<vmem_shared>>
    tpu.wait_dma2 semaphore(%arg9 : memref<!tpu.dma_semaphore, #tpu.memory_space<semaphore_mem>>) src(%dma_wait3A_237 : memref<16x8x128xf32, #tpu.memory_space<vmem_shared>>) dst(%dma_wait3A_232 : memref<16x8x128xf32, #tpu.memory_space<hbm>>)
    %dma_wait3A_238 = arith.constant 0 : i32
    %dma_wait3A_239 = arith.constant 0 : i32
    %dma_wait3A_240 = arith.constant 0 : i32
    %dma_wait3A_241 = arith.constant 0 : i32
    %dma_wait3A_242 = arith.constant 0 : i32
    %dma_wait3A_243 = arith.constant 0 : i32
    %dma_wait3A_244 = tpu.memref_slice %arg4[%dma_wait3A_239, %dma_wait3A_240, %dma_wait3A_241, %dma_wait3A_242, %dma_wait3A_243] : memref<2048x8x16x8x128xf32, #tpu.memory_space<hbm>> -> memref<1x1x16x8x128xf32, #tpu.memory_space<hbm>>
    %dma_wait3A_245 = tpu.memref_squeeze %dma_wait3A_244 : memref<1x1x16x8x128xf32, #tpu.memory_space<hbm>> -> memref<16x8x128xf32, #tpu.memory_space<hbm>>
    %dma_wait3A_246 = arith.constant 0 : i32
    %dma_wait3A_247 = arith.constant 0 : i32
    %dma_wait3A_248 = arith.constant 0 : i32
    %dma_wait3A_249 = tpu.memref_slice %arg5[%arg1, %dma_wait3A_238, %dma_wait3A_246, %dma_wait3A_247, %dma_wait3A_248] : memref<16x2x23x8x128xf32, #tpu.memory_space<vmem_shared>> -> memref<1x1x16x8x128xf32, #tpu.memory_space<vmem_shared>>
    %dma_wait3A_250 = tpu.memref_squeeze %dma_wait3A_249 : memref<1x1x16x8x128xf32, #tpu.memory_space<vmem_shared>> -> memref<16x8x128xf32, #tpu.memory_space<vmem_shared>>
    tpu.wait_dma2 semaphore(%arg9 : memref<!tpu.dma_semaphore, #tpu.memory_space<semaphore_mem>>) src(%dma_wait3A_250 : memref<16x8x128xf32, #tpu.memory_space<vmem_shared>>) dst(%dma_wait3A_245 : memref<16x8x128xf32, #tpu.memory_space<hbm>>)
    return
  }
}

</mosaic_0001>

<sc_bundles>
// kernel: kernel.3.cloned.1.call-start
scs
__scs_entry_jumppad:
0x0: {  	(pc) =	sbr.rel $0x88, $3  }
0x1: {  	(tag) =	ssettag $0x0;
	lr =	simm.s32 $0x1  }
0x2: {  	[smem:$0x3F9E] =	sst lr;
	_ =	strace $0xD0000000  }
0x3: {  	_ = 	snop  }
0x4: {  	_ = 	snop  }
0x5: {  	_ = 	snop  }
0x6: {  	_ = 	snop  }
0x7: {  	_ = 	snop  }
__scs_overlays_trampoline_lowered:
0x8: {  	[smem:$0x3FAD] =	sst s0  }
0x9: {  	[smem:$0x3FAE] =	sst s1  }
0xa: {  	[smem:$0x3FAF] =	sst s2  }
0xb: {  	[smem:$0x3FB0] =	sst s3  }
0xc: {  	[smem:$0x3FB1] =	sst s4  }
0xd: {  	[smem:$0x3FB2] =	sst s5  }
0xe: {  	[smem:$0x3FB3] =	sst s6  }
0xf: {  	[smem:$0x3FB4] =	sst s7  }
0x10: {  	[smem:$0x3FB5] =	sst s8  }
0x11: {  	[smem:$0x3FB6] =	sst s9;
	s0 =	simm.s32 @!p0 $0x0  }
0x12: {  	s1 =	sld [smem:$0x3F9C];
	s0 =	simm.s32 @p0 $0x1  }
0x13: {  	[smem:$0x3FB7] =	sst s0;
	s0 =	simm.s32 @!p1 $0x0  }
0x14: {  	s2 =	sld [smem:$0x3F9B];
	s0 =	simm.s32 @p1 $0x1  }
0x15: {  	[smem:$0x3FB8] =	sst s0;
	s0 =	simm.s32 @!p2 $0x0  }
0x16: {  	s3 =	sld [smem:$0x3FDB];
	s0 =	simm.s32 @p2 $0x1  }
0x17: {  	s4 =	simm.s32 $0x1BF5;
	[smem:$0x3FBA] =	sst s0  }
0x18: {  	s0 =	sld [smem:$0x3F9D];
	_ =	swait.ge [sflag:s4], $0x0  }
0x19: {  	s7 =	sld [smem:$0x3F9E]  }
0x1a: {  	s8 =	sadd.s32 $0xFFFFE003, lr  }
0x1b: {  	s9 =	sadd.s32 $0xFFFFFEF7, lr;
	s5 =	simm.s32 $0xFFFFFFFF;
	p2 =	slt.u32 s8, $0xFFFFF086  }
0x1c: {  	p1 =	slt.u32 s9, $0xF7A;
	s5 =	simm.s32 @!p2 $0x0  }
0x1d: {  	s5 =	simm.s32 @p1 $0x1;
	p0 =	seq.s32 s7, s2  }
0x1e: {  	s7 =	smul.u32 @!p0 $0xF7A, s2;
	p2 =	seq.s32 @!p0 s5, $0x0  }
0x1f: {  	s9 =	smul.u32 $0xF7A, s1;
	s8 =	simm.s32 @!p0 $0x1BF5;
	p2 =	por !p2, p0  }
0x20: {  	[sflag:s8] =	ssyncset.s32 @!p0 $0xFFFFF086;
	s6 =	sadd.s32 @!p0 s3, s7;
	s7 =	simm.s32 @!p0 $0x108  }
0x21: {  	s3 =	sadd.s32 s3, s9;
	s6 =	sadd.s32 @!p0 $0x88, s6;
	s7 =	simm.s32 @p2 $0x1082  }
0x22: {  	[simem:s7], [sflag:s8] =	dma.local @!p0 [hbm:s6], $0xF7A  }
0x23: {  	s9 =	sor.u32 $0xD0000000, s2;
	s6 =	simm.s32 $0x108;
	_ =	swait.ge @!p0 [sflag:s8], $0x0  }
0x24: {  	s3 =	sadd.s32 $0x88, s3;
	s6 =	simm.s32 @!p1 $0x1082;
	[sflag:s4] =	ssyncset.s32 $0xFFFFF086  }
0x25: {  	[simem:s6], [sflag:s4] =	dma.local [hbm:s3], $0xF7A  }
0x26: {  	[smem:$0x3F9E] =	sst s1;
	(tag) =	ssettag s2;
	_ =	strace s9  }
0x27: {  	s1 =	sld [smem:$0x3FAE]  }
0x28: {  	s2 =	sld [smem:$0x3FAF]  }
0x29: {  	s4 =	sld [smem:$0x3FB1]  }
0x2a: {  	p0 =	seq.s32 s5, $0x0;
	s5 =	sld [smem:$0x3FB2]  }
0x2b: {  	s6 =	sld [smem:$0x3FB3]  }
0x2c: {  	s7 =	sld [smem:$0x3FB4]  }
0x2d: {  	s3 =	simm.s32 $0x108;
	s8 =	sld [smem:$0x3FB5]  }
0x2e: {  	s3 =	simm.s32 @!p0 $0x1082;
	s9 =	sld [smem:$0x3FB6]  }
0x2f: {  	lr =	sadd.s32 s0, s3;
	s0 =	sld [smem:$0x3FAD]  }
0x30: {  	s3 =	sld [smem:$0x3FB0]  }
0x31: {  	[smem:$0x3FB9] =	sst s10  }
0x32: {  	s10 =	sld [smem:$0x3FB7];
	_ =	sdelay $0x3  }
0x33: {  	p0 =	seq.s32 s10, $0x1;
	s10 =	sld [smem:$0x3FB9];
	_ =	sdelay $0x3  }
0x34: {  	[smem:$0x3FB9] =	sst s10  }
0x35: {  	s10 =	sld [smem:$0x3FB8];
	_ =	sdelay $0x3  }
0x36: {  	p1 =	seq.s32 s10, $0x1;
	s10 =	sld [smem:$0x3FB9];
	_ =	sdelay $0x3  }
0x37: {  	[smem:$0x3FB9] =	sst s10  }
0x38: {  	s10 =	sld [smem:$0x3FBA]  }
0x39: {  	_ = 	snop;
	(pc) =	sbr.ind lr, $3  }
0x3a: {  	_ = 	snop  }
0x3b: {  	_ = 	snop  }
0x3c: {  	p2 =	seq.s32 s10, $0x1;
	s10 =	sld [smem:$0x3FB9]  }
0x3d: {  	_ =	shalt  }
0x3e: {  	_ =	shalt  }
0x3f: {  	_ =	shalt  }
0x40: {  	_ =	shalt  }
0x41: {  	_ =	shalt  }
0x42: {  	_ =	shalt  }
0x43: {  	_ =	shalt  }
0x44: {  	_ =	shalt  }
0x45: {  	_ =	shalt  }
0x46: {  	_ =	shalt  }
0x47: {  	_ =	shalt  }
0x48: {  	_ =	shalt  }
0x49: {  	_ =	shalt  }
0x4a: {  	_ =	shalt  }
0x4b: {  	_ =	shalt  }
0x4c: {  	_ =	shalt  }
0x4d: {  	_ =	shalt  }
0x4e: {  	_ =	shalt  }
0x4f: {  	_ =	shalt  }
0x50: {  	_ =	shalt  }
0x51: {  	_ =	shalt  }
0x52: {  	_ =	shalt  }
0x53: {  	_ =	shalt  }
0x54: {  	_ =	shalt  }
0x55: {  	_ =	shalt  }
0x56: {  	_ =	shalt  }
0x57: {  	_ =	shalt  }
0x58: {  	_ =	shalt  }
0x59: {  	_ =	shalt  }
0x5a: {  	_ =	shalt  }
0x5b: {  	_ =	shalt  }
0x5c: {  	_ =	shalt  }
0x5d: {  	_ =	shalt  }
0x5e: {  	_ =	shalt  }
0x5f: {  	_ =	shalt  }
0x60: {  	_ =	shalt  }
0x61: {  	_ =	shalt  }
0x62: {  	_ =	shalt  }
0x63: {  	_ =	shalt  }
0x64: {  	_ =	shalt  }
0x65: {  	_ =	shalt  }
0x66: {  	_ =	shalt  }
0x67: {  	_ =	shalt  }
0x68: {  	_ =	shalt  }
0x69: {  	_ =	shalt  }
0x6a: {  	_ =	shalt  }
0x6b: {  	_ =	shalt  }
0x6c: {  	_ =	shalt  }
0x6d: {  	_ =	shalt  }
0x6e: {  	_ =	shalt  }
0x6f: {  	_ =	shalt  }
0x70: {  	_ =	shalt  }
0x71: {  	_ =	shalt  }
0x72: {  	_ =	shalt  }
0x73: {  	_ =	shalt  }
0x74: {  	_ =	shalt  }
0x75: {  	_ =	shalt  }
0x76: {  	_ =	shalt  }
0x77: {  	_ =	shalt  }
0x78: {  	_ =	shalt  }
0x79: {  	_ =	shalt  }
0x7a: {  	_ =	shalt  }
0x7b: {  	_ =	shalt  }
0x7c: {  	_ =	shalt  }
0x7d: {  	_ =	shalt  }
0x7e: {  	_ =	shalt  }
0x7f: {  	_ =	shalt  }
0x80: {  	_ =	shalt  }
0x81: {  	_ =	shalt  }
0x82: {  	_ =	shalt  }
0x83: {  	_ =	shalt  }
0x84: {  	_ =	shalt  }
0x85: {  	_ =	shalt  }
0x86: {  	_ =	shalt  }
0x87: {  	_ =	shalt  }
.Lfunc_end0:
.L_simem_size_0:
called_computation_lowered:
.L_overlay_start_0:
0x88: {  	s2 =	sld [smem:$0x3FD9]  }
0x89: {  	s3 =	sld [smem:$0x3FFE];
	_ =	sdelay $0x1  }
0x8a: {  	s1 =	srdreg.scid  }
0x8b: {  	s0 =	sand.u32 $0x1, s1  }
0x8c: {  	s17 =	sshll.u32 s0, $0xA;
	s2 =	sadd.s32 s3, s2  }
0x8d: {  	s2 =	sadd.s32 s2, s17  }
0x8e: {  	[smem:$0x3FC5] =	sst s2  }
0x8f: {  	_ = 	snop  }
0x90: {  	s2 =	sld [smem:$0x3FD0];
	(tm) =	ssettm $0x1  }
0x91: {  	s18 =	sld [smem:$0x3FFB];
	_ =	sdelay $0x3  }
0x92: {  	_ =	strace s18  }
0x93: {  	s3 =	sld [smem:$0x3FFC];
	_ =	sdelay $0x3  }
0x94: {  	_ =	strace s3  }
0x95: {  	s3 =	sld [smem:$0x3FFD];
	_ =	sdelay $0x3  }
0x96: {  	_ =	strace s3  }
0x97: {  	_ =	strace $0x8FFFFFFF  }
0x98: {  	s19 =	sld [smem:$0x3FDB];
	_ =	sdelay $0x1  }
0x99: {  	s4 =	simm.s32 $_scs_section_size  }
0x9a: {  	s5 =	simm.s32 $_size__tile_overlayer_lowered;
	s6 =	simm.s32 $_tile_overlayer_lowered  }
0x9b: {  	s22 =	simm.s32 $0x1BFF;
	s21 =	sshll.u32 s6, $0x1;
	s3 =	sadd.s32 s4, s19  }
0x9c: {  	s7 =	simm.s32 $0x0;
	s20 =	sshll.u32 s5, $0x1;
	s5 =	sadd.s32 s21, s3  }
0x9d: {  	[timem:s7], [sflag:s22] =	dma.local [hbm:s5], s20  }
0x9e: {  	_ =	swait.ge [sflag:s22], s20  }
0x9f: {  	s4 =	ssub.s32 $0x0, s20;
	[sflag:s22] =	ssyncset.done $0x0  }
0xa0: {  	[sflag:s22] =	ssyncadd.s32 s4;
	_ =	sdelay $0x1  }
0xa1: {  	s23 =	simm.s32 $0x1B8B  }
0xa2: {  	_ =	swait.ge [sflag:s23], $0x1  }
0xa3: {  	[sflag:s23] =	ssyncset.done $0x0  }
0xa4: {  	s25 =	simm.s32 $0x1B8E;
	s24 =	sld [smem:$0x3FFE];
	[sflag:s23] =	ssyncadd.s32 $0xFFFFFFFF  }
0xa5: {  	s26 =	simm.s32 $execute0_lowered;
	[smem:$0x3FD2] =	sst s25  }
0xa6: {  	s5 =	sshll.u32 s26, $0x1;
	_ =	strace $0x80000046;
	[dreg:$0x1] =	wrdreg $0xFFFFFFFF  }
0xa7: {  	s28 =	simm.s32 $_size_execute0_lowered;
	s3 =	sadd.s32 s3, s5;
	[dreg:$0x0] =	wrdreg $0x0  }
0xa8: {  	s5 =	sshll.u32 s28, $0x1;
	[dreg:$0x2] =	wrdreg s3  }
0xa9: {  	[dreg:$0x3] =	wrdreg s5  }
0xaa: {  	[dreg:$0x4] =	wrdreg $0xC0  }
0xab: {  	_ =	task [dreg:s7], $0x5FFFF  }
0xac: {  	[dreg:$0x1] =	wrdreg $0xFFFFFFFF  }
0xad: {  	[dreg:$0x0] =	wrdreg $0x60  }
0xae: {  	[dreg:$0x2] =	wrdreg s24  }
0xaf: {  	[dreg:$0x3] =	wrdreg s2  }
0xb0: {  	[dreg:$0x4] =	wrdreg $0x0  }
0xb1: {  	[dreg:$0x5] =	wrdreg $0x9  }
0xb2: {  	_ =	task.clear_ibuf [dreg:s7], $0x6FFFF;
	_ =	strace $0x90000046  }
0xb3: {  	s29 =	simm.s32 $0x9;
	_ =	strace $0x80000048  }
0xb4: {  	_ =	swait.ge [sflag:s29], $0x1  }
0xb5: {  	[sflag:s29] =	ssyncadd.s32 $0xFFFFFFFF  }
0xb6: {  	_ =	strace $0x90000048  }
0xb7: {  	_ =	sfence  }
0xb8: {  	s30 =	sld [smem:$0x0];
	_ =	sdelay $0x2  }
0xb9: {  	s31 =	sshll.u32 s1, $0xD;
	s1 =	sshrl.u32 s1, $0x2  }
0xba: {  	s3 =	sand.u32 $0x4000, s31;
	s1 =	sadd.s32 s1, s30  }
0xbb: {  	s0 =	sor.u32 s3, s0;
	s1 =	sshll.u32 s1, $0x11  }
0xbc: {  	s0 =	sor.u32 s1, s0  }
0xbd: {  	s0 =	sadd.s32 $0x8F2B, s0  }
0xbe: {  	[sflag:s0] =	ssyncadd.remote.s32 $0x1  }
0xbf: {  	_ =	sfence.sel $0xFFFF  }
0xc0: {  	[dreg:$0x0] =	wrdreg $0xFFFFFFFF;
	(pc) =	sbr.abs _section_cstart, $3  }
0xc1: {  	[dreg:$0x1] =	wrdreg $0xFFFFFFFF  }
0xc2: {  	_ =	task.clear_ibuf [dreg:s7], $0x2FFFF;
	_ =	strace $0x9FFFFFFF  }
0xc3: {  	(tm) =	ssettm $0x7FFFFFFF  }
tec
execute0_lowered:
.L_overlay_start_1:
0x0: {  	(tag) =	ssettag $0x1  }
0x1: {  	s12 =	rddreg [dreg:$0x0]  }
0x2: {  	s2 =	rddreg [dreg:$0x1]  }
0x3: {  	s0 =	rddreg [dreg:$0x2]  }
0x4: {  	s1 =	srdreg.scid;
	s4 =	simm.s32 $0x0;
	s7 =	stileid.u32  }
0x5: {  	s1 =	sand.u32 $0x1, s1;
	[smem:$0x7FF] =	sst s4;
	s5 =	sshll.u32 s7, $0x3  }
0x6: {  	s6 =	smul.u32 $0x2E000, s7;
	s15 =	sand.u32 $0x3, s7;
	s3 =	ssub.s32 $0x2, s1  }
0x7: {  	s5 =	sand.u32 $0x60, s5;
	s1 =	sshll.u32 s1, $0xA;
	_ =	strace $0x80000047  }
0x8: {  	s17 =	sshll.u32 s15, $0xF;
	s4 =	smul.u32 $0x3800, s15;
	s14 =	sshrl.u32 s3, $0x1  }
0x9: {  	s1 =	ssub.s32 s5, s1;
	s16 =	sshrl.u32 s6, $0x2;
	[dreg:$0x5] =	wrdreg s17  }
0xa: {  	s3 =	ssub.s32 s3, s14;
	s5 =	sadd.s32 $0x400, s1;
	s6 =	sadd.s32 s16, s0  }
0xb: {  	s4 =	sshrl.u32 s4, $0x2;
	s13 =	sadd.s32 $0xFFFFFCD1, s1;
	[dreg:$0x4] =	wrdreg s5  }
0xc: {  	s22 =	sadd.s32 $0xFFFFFCC1, s1;
	s23 =	sadd.s32 $0xFFFFFCB1, s1;
	[dreg:$0x7] =	wrdreg s13  }
0xd: {  	s24 =	sadd.s32 $0xFFFFFCA1, s1;
	s25 =	sadd.s32 $0xFFFFFC91, s1;
	[dreg:$0x8] =	wrdreg s22  }
0xe: {  	s26 =	sadd.s32 $0xFFFFFC81, s1;
	s28 =	sadd.s32 $0xFFFFFC71, s1;
	[dreg:$0x9] =	wrdreg s23  }
0xf: {  	s1 =	sadd.s32 $0xFFFFFC61, s1;
	s18 =	smax.u32 s3, $0x1;
	[dreg:$0xa] =	wrdreg s24  }
0x10: {  	s19 =	sadd.s32 $0x5C00, s6;
	s20 =	sadd.s32 $0x400, s6;
	[dreg:$0xb] =	wrdreg s25  }
0x11: {  	s5 =	sadd.s32 $0x6000, s6;
	s21 =	sadd.s32 $0x800, s6;
	[dreg:$0xc] =	wrdreg s26  }
0x12: {  	s8 =	sadd.s32 $0x6400, s6;
	s9 =	sadd.s32 $0xC00, s6;
	[dreg:$0xd] =	wrdreg s28  }
0x13: {  	s10 =	sadd.s32 $0x6800, s6;
	s11 =	sadd.s32 $0x1000, s6;
	[dreg:$0xe] =	wrdreg s1  }
0x14: {  	s29 =	sadd.s32 $0x17000, s4;
	s28 =	sadd.s32 $0x800, s12;
	[dreg:$0x6] =	wrdreg s18  }
0x15: {  	s22 =	sadd.s32 $0x7000, s6;
	s0 =	sshrl.u32 s19, $0x3;
	[dreg:$0x1a] =	wrdreg s28  }
0x16: {  	s23 =	sadd.s32 $0x1800, s6;
	s13 =	sshrl.u32 s20, $0x3;
	[dreg:$0xf] =	wrdreg s0  }
0x17: {  	s24 =	sadd.s32 $0x7400, s6;
	s14 =	sshrl.u32 s5, $0x3;
	[dreg:$0x10] =	wrdreg s13  }
0x18: {  	s25 =	sadd.s32 $0x1C00, s6;
	s15 =	sshrl.u32 s21, $0x3;
	[dreg:$0x11] =	wrdreg s14  }
0x19: {  	s26 =	sadd.s32 $0x7800, s6;
	s16 =	sshrl.u32 s8, $0x3;
	[dreg:$0x12] =	wrdreg s15  }
0x1a: {  	s17 =	sshrl.u32 s9, $0x3;
	s18 =	sshrl.u32 s10, $0x3;
	[dreg:$0x13] =	wrdreg s16  }
0x1b: {  	s19 =	sadd.s32 $0x6C00, s6;
	s20 =	sshrl.u32 s11, $0x3;
	[dreg:$0x14] =	wrdreg s17  }
0x1c: {  	s21 =	sadd.s32 $0x1400, s6;
	s30 =	sshrl.u32 s23, $0x3;
	[dreg:$0x15] =	wrdreg s18  }
0x1d: {  	s31 =	sshrl.u32 s24, $0x3;
	[dreg:$0x16] =	wrdreg s20;
	s0 =	sshrl.u32 s19, $0x3  }
0x1e: {  	s1 =	sshrl.u32 s26, $0x3;
	[dreg:$0x17] =	wrdreg s0;
	s0 =	sshrl.u32 s21, $0x3  }
0x1f: {  	s8 =	simm.s32 $0x2;
	[dreg:$0x18] =	wrdreg s0;
	s0 =	sshrl.u32 s22, $0x3  }
0x20: {  	s5 =	simm.s32 $0x0;
	[dreg:$0x19] =	wrdreg s0;
	s0 =	sshrl.u32 s25, $0x3  }
.LBB2_1:
0x21: {  	[dreg:$0x1b] =	wrdreg s5  }
0x22: {  	s12 =	simm.s32 $0x0;
	s3 =	rddreg [dreg:$0x1a];
	s4 =	simm.s32 $0x1A800  }
0x23: {  	[tilespmem:s4], [sflag:$0x2] =	stream.linear.gather [hbm4b:s3+s12], $0x10, $0x38;
	[tilespmem:$0x1A810] =	vst v63  }
0x24: {  	_ =	swait.ge [sflag:s8], $0x10  }
0x25: {  	[sflag:s8] =	ssyncset.done $0x0  }
0x26: {  	[sflag:s8] =	ssyncadd.s32 $0xFFFFFFF0  }
0x27: {  	v0 =	vld [tilespmem:$0x1A800];
	_ =	sdelay $0x4  }
0x28: {  	(v2sf) =	vpush v0, $0x0;
	_ =	sdelay $0xc  }
0x29: {  	s7 =	simm.s32 $0x17000;
	s14 =	rddreg [dreg:$0x0]  }
0x2a: {  	[tilespmem:s7], [sflag:$0x2] =	stream.linear.gather [hbm4b:s14+s12], $0x3800, $0x38;
	[tilespmem:$0x1A810] =	vst v63  }
0x2b: {  	s13 =	spop (v2sf)  }
0x2c: {  	_ =	swait.ge [sflag:s8], $0x3800  }
0x2d: {  	s15 =	rddreg [dreg:$0x7]  }
0x2e: {  	s16 =	rddreg [dreg:$0x8]  }
0x2f: {  	s17 =	rddreg [dreg:$0x9]  }
0x30: {  	s18 =	rddreg [dreg:$0xa]  }
0x31: {  	s19 =	rddreg [dreg:$0xb]  }
0x32: {  	s20 =	rddreg [dreg:$0xc]  }
0x33: {  	s26 =	rddreg [dreg:$0xd]  }
0x34: {  	s9 =	simm.s32 $0x0;
	[sflag:s8] =	ssyncset.done $0x0;
	s28 =	rddreg [dreg:$0xe]  }
0x35: {  	[sflag:s8] =	ssyncadd.s32 $0xFFFFC800;
	s25 =	sadd.s32 s13, s15;
	s24 =	sadd.s32 s13, s16  }
0x36: {  	s23 =	sadd.s32 s13, s17;
	s22 =	sadd.s32 s13, s18;
	s21 =	sadd.s32 s13, s19  }
0x37: {  	s20 =	sadd.s32 s13, s20;
	s19 =	sadd.s32 s13, s26;
	s18 =	sadd.s32 s13, s28  }
.LBB2_2:
0x38: {  	s3 =	rddreg [dreg:$0x4];
	s5 =	simm.s32 $0x0;
	s7 =	simm.s32 $0xB800  }
0x39: {  	s12 =	smov.u32 s19;
	s4 =	smov.u32 s20;
	s17 =	smov.u32 s21  }
0x3a: {  	s16 =	smov.u32 s22;
	s15 =	smov.u32 s23;
	s14 =	smov.u32 s24  }
0x3b: {  	s13 =	smov.u32 s25;
	s11 =	sadd.s32 s9, s3;
	s3 =	smov.u32 s18  }
.LBB2_3:
0x3c: {  	p0 =	sgt.s32 s3, $0x0;
	s10 =	smov.u32 s3  }
0x3d: {  	s10 =	simm.s32 @!p0 $0x0  }
0x3e: {  	s10 =	smin.u32 s10, $0xD0  }
0x3f: {  	s26 =	sshll.u32 s10, $0x2;
	s10 =	sand.u32 $0x7, s10  }
0x40: {  	s26 =	sand.u32 $0x3E0, s26;
	s10 =	sshll.u32 s10, $0x2  }
0x41: {  	s10 =	sor.u32 s10, s26  }
0x42: {  	p0 =	sgt.s32 s12, $0x0;
	s26 =	smov.u32 s12;
	s10 =	sshrl.u32 s10, $0x2  }
0x43: {  	s26 =	simm.s32 @!p0 $0x0;
	v0 =	vmov s10  }
0x44: {  	s10 =	smin.u32 s26, $0xD0  }
0x45: {  	s26 =	sshll.u32 s10, $0x2;
	s10 =	sand.u32 $0x7, s10  }
0x46: {  	s26 =	sand.u32 $0x3E0, s26;
	s10 =	sshll.u32 s10, $0x2  }
0x47: {  	s10 =	sor.u32 s10, s26  }
0x48: {  	v1 =	vmov s7;
	p0 =	sgt.s32 s4, $0x0;
	s26 =	smov.u32 s4;
	s10 =	sshrl.u32 s10, $0x2;
	v3 =	vld.idx.msk [tilespmem:v0+s29+$0x0 ss:$0x1], $0xffff  }
0x49: {  	s26 =	simm.s32 @!p0 $0x0;
	v2 =	vmov s10  }
0x4a: {  	s10 =	smin.u32 s26, $0xD0  }
0x4b: {  	s26 =	sshll.u32 s10, $0x2;
	s10 =	sand.u32 $0x7, s10  }
0x4c: {  	s28 =	sand.u32 $0x3E0, s26;
	s10 =	sshll.u32 s10, $0x2;
	s26 =	simm.s32 $0x0  }
0x4d: {  	s10 =	sor.u32 s10, s28;
	[tilespmem:v1+s26+$0x0 ss:$0x1] =	vst.idx.msk $0xffff, v3  }
0x4e: {  	p0 =	sgt.s32 s17, $0x0;
	s28 =	smov.u32 s17;
	s10 =	sshrl.u32 s10, $0x2;
	v4 =	vld.idx.msk [tilespmem:v2+s29+$0x0 ss:$0x1], $0xffff  }
0x4f: {  	s28 =	simm.s32 @!p0 $0x0;
	v3 =	vmov s10  }
0x50: {  	s10 =	smin.u32 s28, $0xD0  }
0x51: {  	s28 =	sshll.u32 s10, $0x2;
	s10 =	sand.u32 $0x7, s10  }
0x52: {  	s28 =	sand.u32 $0x3E0, s28;
	s10 =	sshll.u32 s10, $0x2  }
0x53: {  	s10 =	sor.u32 s10, s28;
	[tilespmem:v1+s26+$0x10 ss:$0x1] =	vst.idx.msk $0xffff, v4  }
0x54: {  	p0 =	sgt.s32 s16, $0x0;
	s28 =	smov.u32 s16;
	s10 =	sshrl.u32 s10, $0x2;
	v5 =	vld.idx.msk [tilespmem:v3+s29+$0x0 ss:$0x1], $0xffff  }
0x55: {  	s28 =	simm.s32 @!p0 $0x0;
	v4 =	vmov s10  }
0x56: {  	s10 =	smin.u32 s28, $0xD0  }
0x57: {  	s28 =	sshll.u32 s10, $0x2;
	s10 =	sand.u32 $0x7, s10  }
0x58: {  	s28 =	sand.u32 $0x3E0, s28;
	s10 =	sshll.u32 s10, $0x2  }
0x59: {  	s10 =	sor.u32 s10, s28;
	[tilespmem:v1+s26+$0x20 ss:$0x1] =	vst.idx.msk $0xffff, v5  }
0x5a: {  	p0 =	sgt.s32 s15, $0x0;
	s28 =	smov.u32 s15;
	s10 =	sshrl.u32 s10, $0x2;
	v6 =	vld.idx.msk [tilespmem:v4+s29+$0x0 ss:$0x1], $0xffff  }
0x5b: {  	s28 =	simm.s32 @!p0 $0x0;
	v5 =	vmov s10  }
0x5c: {  	s10 =	smin.u32 s28, $0xD0  }
0x5d: {  	s28 =	sshll.u32 s10, $0x2;
	s10 =	sand.u32 $0x7, s10  }
0x5e: {  	s28 =	sand.u32 $0x3E0, s28;
	s10 =	sshll.u32 s10, $0x2  }
0x5f: {  	s10 =	sor.u32 s10, s28;
	[tilespmem:v1+s26+$0x30 ss:$0x1] =	vst.idx.msk $0xffff, v6  }
0x60: {  	p0 =	sgt.s32 s14, $0x0;
	s28 =	smov.u32 s14;
	s10 =	sshrl.u32 s10, $0x2;
	v7 =	vld.idx.msk [tilespmem:v5+s29+$0x0 ss:$0x1], $0xffff  }
0x61: {  	s28 =	simm.s32 @!p0 $0x0;
	v6 =	vmov s10  }
0x62: {  	s10 =	smin.u32 s28, $0xD0  }
0x63: {  	s28 =	sshll.u32 s10, $0x2;
	s10 =	sand.u32 $0x7, s10  }
0x64: {  	s28 =	sand.u32 $0x3E0, s28;
	s10 =	sshll.u32 s10, $0x2  }
0x65: {  	s10 =	sor.u32 s10, s28;
	[tilespmem:v1+s26+$0x40 ss:$0x1] =	vst.idx.msk $0xffff, v7  }
0x66: {  	p0 =	sgt.s32 s13, $0x0;
	s28 =	smov.u32 s13;
	s10 =	sshrl.u32 s10, $0x2;
	v8 =	vld.idx.msk [tilespmem:v6+s29+$0x0 ss:$0x1], $0xffff  }
0x67: {  	s28 =	simm.s32 @!p0 $0x0;
	v7 =	vmov s10  }
0x68: {  	s10 =	smin.u32 s28, $0xD0  }
0x69: {  	s28 =	sshll.u32 s10, $0x2;
	s10 =	sand.u32 $0x7, s10  }
0x6a: {  	s28 =	sand.u32 $0x3E0, s28;
	s10 =	sshll.u32 s10, $0x2  }
0x6b: {  	s10 =	sor.u32 s10, s28;
	[tilespmem:v1+s26+$0x50 ss:$0x1] =	vst.idx.msk $0xffff, v8  }
0x6c: {  	s10 =	sshrl.u32 s10, $0x2;
	v9 =	vld.idx.msk [tilespmem:v7+s29+$0x0 ss:$0x1], $0xffff  }
0x6d: {  	v8 =	vmov s10;
	_ =	sdelay $0x3  }
0x6e: {  	[tilespmem:v1+s26+$0x60 ss:$0x1] =	vst.idx.msk $0xffff, v9  }
0x6f: {  	v9 =	vld.idx.msk [tilespmem:v8+s29+$0x0 ss:$0x1], $0xffff;
	_ =	sdelay $0x4  }
0x70: {  	[tilespmem:v1+s26+$0x70 ss:$0x1] =	vst.idx.msk $0xffff, v9  }
0x71: {  	v9 =	vld.idx.msk [tilespmem:v0+s29+$0x700 ss:$0x1], $0xffff;
	_ =	sdelay $0x4  }
0x72: {  	[tilespmem:v1+s26+$0x5C00 ss:$0x1] =	vst.idx.msk $0xffff, v9  }
0x73: {  	v9 =	vld.idx.msk [tilespmem:v2+s29+$0x700 ss:$0x1], $0xffff;
	_ =	sdelay $0x4  }
0x74: {  	[tilespmem:v1+s26+$0x5C10 ss:$0x1] =	vst.idx.msk $0xffff, v9  }
0x75: {  	v9 =	vld.idx.msk [tilespmem:v3+s29+$0x700 ss:$0x1], $0xffff;
	_ =	sdelay $0x4  }
0x76: {  	[tilespmem:v1+s26+$0x5C20 ss:$0x1] =	vst.idx.msk $0xffff, v9  }
0x77: {  	v9 =	vld.idx.msk [tilespmem:v4+s29+$0x700 ss:$0x1], $0xffff;
	_ =	sdelay $0x4  }
0x78: {  	[tilespmem:v1+s26+$0x5C30 ss:$0x1] =	vst.idx.msk $0xffff, v9  }
0x79: {  	v9 =	vld.idx.msk [tilespmem:v5+s29+$0x700 ss:$0x1], $0xffff;
	_ =	sdelay $0x4  }
0x7a: {  	[tilespmem:v1+s26+$0x5C40 ss:$0x1] =	vst.idx.msk $0xffff, v9  }
0x7b: {  	v9 =	vld.idx.msk [tilespmem:v6+s29+$0x700 ss:$0x1], $0xffff;
	_ =	sdelay $0x4  }
0x7c: {  	[tilespmem:v1+s26+$0x5C50 ss:$0x1] =	vst.idx.msk $0xffff, v9  }
0x7d: {  	v9 =	vld.idx.msk [tilespmem:v7+s29+$0x700 ss:$0x1], $0xffff;
	_ =	sdelay $0x4  }
0x7e: {  	[tilespmem:v1+s26+$0x5C60 ss:$0x1] =	vst.idx.msk $0xffff, v9  }
0x7f: {  	s28 =	simm.s32 $0x200;
	s10 =	smov.u32 s29;
	v9 =	vld.idx.msk [tilespmem:v8+s29+$0x700 ss:$0x1], $0xffff  }
.LBB2_4:
0x80: {  	_ =	sdelay $0x2  }
0x81: {  	p0 =	sne.s32 s28, $0xE00  }
0x82: {  	s10 =	sadd.s32 $0xE0, s10;
	[tilespmem:v1+s26+$0x5C70 ss:$0x1] =	vst.idx.msk $0xffff, v9;
	s26 =	smov.u32 s28;
	s28 =	sadd.s32 $0x200, s28  }
0x83: {  	v9 =	vld.idx.msk [tilespmem:v0+s10+$0x0 ss:$0x1], $0xffff;
	_ =	sdelay $0x4  }
0x84: {  	s26 =	sshra.s32 s26, $0x2  }
0x85: {  	[tilespmem:v1+s26+$0x0 ss:$0x1] =	vst.idx.msk $0xffff, v9  }
0x86: {  	v9 =	vld.idx.msk [tilespmem:v2+s10+$0x0 ss:$0x1], $0xffff;
	_ =	sdelay $0x5  }
0x87: {  	[tilespmem:v1+s26+$0x10 ss:$0x1] =	vst.idx.msk $0xffff, v9  }
0x88: {  	v9 =	vld.idx.msk [tilespmem:v3+s10+$0x0 ss:$0x1], $0xffff;
	_ =	sdelay $0x5  }
0x89: {  	[tilespmem:v1+s26+$0x20 ss:$0x1] =	vst.idx.msk $0xffff, v9  }
0x8a: {  	v9 =	vld.idx.msk [tilespmem:v4+s10+$0x0 ss:$0x1], $0xffff;
	_ =	sdelay $0x5  }
0x8b: {  	[tilespmem:v1+s26+$0x30 ss:$0x1] =	vst.idx.msk $0xffff, v9  }
0x8c: {  	v9 =	vld.idx.msk [tilespmem:v5+s10+$0x0 ss:$0x1], $0xffff;
	_ =	sdelay $0x5  }
0x8d: {  	[tilespmem:v1+s26+$0x40 ss:$0x1] =	vst.idx.msk $0xffff, v9  }
0x8e: {  	v9 =	vld.idx.msk [tilespmem:v6+s10+$0x0 ss:$0x1], $0xffff;
	_ =	sdelay $0x5  }
0x8f: {  	[tilespmem:v1+s26+$0x50 ss:$0x1] =	vst.idx.msk $0xffff, v9  }
0x90: {  	v9 =	vld.idx.msk [tilespmem:v7+s10+$0x0 ss:$0x1], $0xffff;
	_ =	sdelay $0x5  }
0x91: {  	[tilespmem:v1+s26+$0x60 ss:$0x1] =	vst.idx.msk $0xffff, v9  }
0x92: {  	v9 =	vld.idx.msk [tilespmem:v8+s10+$0x0 ss:$0x1], $0xffff;
	_ =	sdelay $0x5  }
0x93: {  	[tilespmem:v1+s26+$0x70 ss:$0x1] =	vst.idx.msk $0xffff, v9  }
0x94: {  	v9 =	vld.idx.msk [tilespmem:v0+s10+$0x700 ss:$0x1], $0xffff;
	_ =	sdelay $0x5  }
0x95: {  	[tilespmem:v1+s26+$0x5C00 ss:$0x1] =	vst.idx.msk $0xffff, v9  }
0x96: {  	v9 =	vld.idx.msk [tilespmem:v2+s10+$0x700 ss:$0x1], $0xffff;
	_ =	sdelay $0x5  }
0x97: {  	[tilespmem:v1+s26+$0x5C10 ss:$0x1] =	vst.idx.msk $0xffff, v9  }
0x98: {  	v9 =	vld.idx.msk [tilespmem:v3+s10+$0x700 ss:$0x1], $0xffff;
	_ =	sdelay $0x5  }
0x99: {  	[tilespmem:v1+s26+$0x5C20 ss:$0x1] =	vst.idx.msk $0xffff, v9  }
0x9a: {  	v9 =	vld.idx.msk [tilespmem:v4+s10+$0x700 ss:$0x1], $0xffff;
	_ =	sdelay $0x5  }
0x9b: {  	[tilespmem:v1+s26+$0x5C30 ss:$0x1] =	vst.idx.msk $0xffff, v9  }
0x9c: {  	v9 =	vld.idx.msk [tilespmem:v5+s10+$0x700 ss:$0x1], $0xffff;
	_ =	sdelay $0x5  }
0x9d: {  	[tilespmem:v1+s26+$0x5C40 ss:$0x1] =	vst.idx.msk $0xffff, v9  }
0x9e: {  	v9 =	vld.idx.msk [tilespmem:v6+s10+$0x700 ss:$0x1], $0xffff;
	_ =	sdelay $0x5  }
0x9f: {  	[tilespmem:v1+s26+$0x5C50 ss:$0x1] =	vst.idx.msk $0xffff, v9  }
0xa0: {  	v9 =	vld.idx.msk [tilespmem:v7+s10+$0x700 ss:$0x1], $0xffff;
	_ =	sdelay $0x2  }
.Ltmp0:
0xa1: {  	(pc) =	sbr.rel @p0 .LBB2_4-.Ltmp0, $3  }
0xa2: {  	_ =	sdelay $0x1  }
0xa3: {  	[tilespmem:v1+s26+$0x5C60 ss:$0x1] =	vst.idx.msk $0xffff, v9  }
0xa4: {  	v9 =	vld.idx.msk [tilespmem:v8+s10+$0x700 ss:$0x1], $0xffff  }
0xa5: {  	s5 =	sadd.s32 $0x1, s5  }
0xa6: {  	p0 =	sne.s32 s5, $0x17  }
.Ltmp1:
0xa7: {  	_ = 	snop;
	(pc) =	sbr.rel @p0 .LBB2_3-.Ltmp1, $4  }
0xa8: {  	_ = 	snop  }
0xa9: {  	s7 =	sadd.s32 $0x400, s7;
	s13 =	sadd.s32 $0x80, s13;
	s14 =	sadd.s32 $0x80, s14  }
0xaa: {  	s15 =	sadd.s32 $0x80, s15;
	s16 =	sadd.s32 $0x80, s16;
	s17 =	sadd.s32 $0x80, s17  }
0xab: {  	s4 =	sadd.s32 $0x80, s4;
	s12 =	sadd.s32 $0x80, s12;
	s3 =	sadd.s32 $0x80, s3;
	[tilespmem:v1+s26+$0x5C70 ss:$0x1] =	vst.idx.msk $0xffff, v9  }
0xac: {  	p0 =	seq.s32 s9, $0x0  }
0xad: {  	s3 =	simm.s32 @!p0 $0x1  }
0xae: {  	_ =	swait.ge @!p0 [sflag:s3], $0x800  }
0xaf: {  	[sflag:s3] =	ssyncset.done @!p0 $0x0  }
0xb0: {  	[sflag:s3] =	ssyncadd.s32 @!p0 $0xFFFFF800  }
0xb1: {  	_ =	swait.ge @!p0 [sflag:s3], $0x800  }
0xb2: {  	[sflag:s3] =	ssyncset.done @!p0 $0x0  }
0xb3: {  	[sflag:s3] =	ssyncadd.s32 @!p0 $0xFFFFF800  }
0xb4: {  	_ =	swait.ge @!p0 [sflag:s3], $0x800  }
0xb5: {  	[sflag:s3] =	ssyncset.done @!p0 $0x0  }
0xb6: {  	[sflag:s3] =	ssyncadd.s32 @!p0 $0xFFFFF800  }
0xb7: {  	_ =	swait.ge @!p0 [sflag:s3], $0x800  }
0xb8: {  	[sflag:s3] =	ssyncset.done @!p0 $0x0  }
0xb9: {  	[sflag:s3] =	ssyncadd.s32 @!p0 $0xFFFFF800  }
0xba: {  	_ =	swait.ge @!p0 [sflag:s3], $0x800  }
0xbb: {  	[sflag:s3] =	ssyncset.done @!p0 $0x0  }
0xbc: {  	[sflag:s3] =	ssyncadd.s32 @!p0 $0xFFFFF800  }
0xbd: {  	_ =	swait.ge @!p0 [sflag:s3], $0x800  }
0xbe: {  	[sflag:s3] =	ssyncset.done @!p0 $0x0  }
0xbf: {  	[sflag:s3] =	ssyncadd.s32 @!p0 $0xFFFFF800  }
0xc0: {  	_ =	swait.ge @!p0 [sflag:s3], $0x800  }
0xc1: {  	[sflag:s3] =	ssyncset.done @!p0 $0x0  }
0xc2: {  	[sflag:s3] =	ssyncadd.s32 @!p0 $0xFFFFF800  }
0xc3: {  	_ =	swait.ge @!p0 [sflag:s3], $0x800  }
0xc4: {  	[sflag:s3] =	ssyncset.done @!p0 $0x0  }
0xc5: {  	[sflag:s3] =	ssyncadd.s32 @!p0 $0xFFFFF800  }
0xc6: {  	_ =	swait.ge @!p0 [sflag:s3], $0x800  }
0xc7: {  	[sflag:s3] =	ssyncset.done @!p0 $0x0  }
0xc8: {  	[sflag:s3] =	ssyncadd.s32 @!p0 $0xFFFFF800  }
0xc9: {  	_ =	swait.ge @!p0 [sflag:s3], $0x800  }
0xca: {  	[sflag:s3] =	ssyncset.done @!p0 $0x0  }
0xcb: {  	[sflag:s3] =	ssyncadd.s32 @!p0 $0xFFFFF800  }
0xcc: {  	_ =	swait.ge @!p0 [sflag:s3], $0x800  }
0xcd: {  	[sflag:s3] =	ssyncset.done @!p0 $0x0  }
0xce: {  	[sflag:s3] =	ssyncadd.s32 @!p0 $0xFFFFF800  }
0xcf: {  	_ =	swait.ge @!p0 [sflag:s3], $0x800  }
0xd0: {  	[sflag:s3] =	ssyncset.done @!p0 $0x0  }
0xd1: {  	[sflag:s3] =	ssyncadd.s32 @!p0 $0xFFFFF800  }
0xd2: {  	_ =	swait.ge @!p0 [sflag:s3], $0x800  }
0xd3: {  	[sflag:s3] =	ssyncset.done @!p0 $0x0  }
0xd4: {  	[sflag:s3] =	ssyncadd.s32 @!p0 $0xFFFFF800  }
0xd5: {  	_ =	swait.ge @!p0 [sflag:s3], $0x800  }
0xd6: {  	[sflag:s3] =	ssyncset.done @!p0 $0x0  }
0xd7: {  	[sflag:s3] =	ssyncadd.s32 @!p0 $0xFFFFF800  }
0xd8: {  	_ =	swait.ge @!p0 [sflag:s3], $0x800  }
0xd9: {  	[sflag:s3] =	ssyncset.done @!p0 $0x0  }
0xda: {  	[sflag:s3] =	ssyncadd.s32 @!p0 $0xFFFFF800  }
0xdb: {  	_ =	swait.ge @!p0 [sflag:s3], $0x800  }
0xdc: {  	[sflag:s3] =	ssyncset.done @!p0 $0x0  }
0xdd: {  	s12 =	simm.s32 $0xB800;
	[sflag:s3] =	ssyncadd.s32 @!p0 $0xFFFFF800  }
0xde: {  	[spmem:s6] =	stream.linear.scatter [tilespmem:s12], [sflag:$0x2], $0xB800, $0x38;
	[tilespmem:$0x1A810] =	vst v63  }
0xdf: {  	_ =	swait.ge [sflag:s8], $0xB800  }
0xe0: {  	s13 =	sshll.u32 s11, $0x11;
	s4 =	rddreg [dreg:$0x5]  }
0xe1: {  	s3 =	ssub.s32 s4, s13  }
0xe2: {  	s5 =	stileid.u32;
	s7 =	sshrl.u32 s6, $0x3;
	s4 =	sadd.s32 $0xFFE0000, s3  }
0xe3: {  	s5 =	sshll.u32 s5, $0x6;
	[sflag:s8] =	ssyncset.done $0x0;
	s4 =	sshrl.u32 s4, $0x3  }
0xe4: {  	s5 =	sor.u32 $0x1C01, s5;
	[sflag:s8] =	ssyncadd.s32 $0xFFFF4800;
	s4 =	sadd.s32 s2, s4  }
0xe5: {  	[hbm:s4], [sflag:s5] =	dma.local [spmem:s7], $0x800  }
0xe6: {  	s14 =	sadd.s32 $0xEFE0000, s3;
	s4 =	sadd.s32 $0x800, s4;
	s7 =	rddreg [dreg:$0xf]  }
0xe7: {  	[hbm:s4], [sflag:s5] =	dma.local [spmem:s7], $0x800  }
0xe8: {  	s4 =	sshrl.u32 s14, $0x3  }
0xe9: {  	s4 =	sadd.s32 s2, s4;
	s7 =	rddreg [dreg:$0x10]  }
0xea: {  	[hbm:s4], [sflag:s5] =	dma.local [spmem:s7], $0x800  }
0xeb: {  	s15 =	sadd.s32 $0xDFE0000, s3;
	s4 =	sadd.s32 $0x800, s4;
	s7 =	rddreg [dreg:$0x11]  }
0xec: {  	[hbm:s4], [sflag:s5] =	dma.local [spmem:s7], $0x800  }
0xed: {  	s4 =	sshrl.u32 s15, $0x3  }
0xee: {  	s4 =	sadd.s32 s2, s4;
	s7 =	rddreg [dreg:$0x12]  }
0xef: {  	[hbm:s4], [sflag:s5] =	dma.local [spmem:s7], $0x800  }
0xf0: {  	s16 =	sadd.s32 $0xCFE0000, s3;
	s4 =	sadd.s32 $0x800, s4;
	s7 =	rddreg [dreg:$0x13]  }
0xf1: {  	[hbm:s4], [sflag:s5] =	dma.local [spmem:s7], $0x800  }
0xf2: {  	s4 =	sshrl.u32 s16, $0x3  }
0xf3: {  	s4 =	sadd.s32 s2, s4;
	s7 =	rddreg [dreg:$0x14]  }
0xf4: {  	[hbm:s4], [sflag:s5] =	dma.local [spmem:s7], $0x800  }
0xf5: {  	s17 =	sadd.s32 $0xBFE0000, s3;
	s4 =	sadd.s32 $0x800, s4;
	s7 =	rddreg [dreg:$0x15]  }
0xf6: {  	[hbm:s4], [sflag:s5] =	dma.local [spmem:s7], $0x800  }
0xf7: {  	s9 =	sadd.s32 $0x1, s9;
	s25 =	sadd.s32 $0x1, s25;
	s4 =	sshrl.u32 s17, $0x3  }
0xf8: {  	s24 =	sadd.s32 $0x1, s24;
	s4 =	sadd.s32 s2, s4;
	s7 =	rddreg [dreg:$0x16]  }
0xf9: {  	[hbm:s4], [sflag:s5] =	dma.local [spmem:s7], $0x800  }
0xfa: {  	s26 =	sadd.s32 $0xAFE0000, s3;
	s4 =	sadd.s32 $0x800, s4;
	s7 =	rddreg [dreg:$0x17]  }
0xfb: {  	[hbm:s4], [sflag:s5] =	dma.local [spmem:s7], $0x800  }
0xfc: {  	s23 =	sadd.s32 $0x1, s23;
	s22 =	sadd.s32 $0x1, s22;
	s4 =	sshrl.u32 s26, $0x3  }
0xfd: {  	s21 =	sadd.s32 $0x1, s21;
	s4 =	sadd.s32 s2, s4;
	s7 =	rddreg [dreg:$0x18]  }
0xfe: {  	[hbm:s4], [sflag:s5] =	dma.local [spmem:s7], $0x800  }
0xff: {  	s28 =	sadd.s32 $0x9FE0000, s3;
	s4 =	sadd.s32 $0x800, s4;
	s7 =	rddreg [dreg:$0x19]  }
0x100: {  	[hbm:s4], [sflag:s5] =	dma.local [spmem:s7], $0x800  }
0x101: {  	s20 =	sadd.s32 $0x1, s20;
	s3 =	sadd.s32 $0x8FE0000, s3;
	s4 =	sshrl.u32 s28, $0x3  }
0x102: {  	p0 =	sne.s32 s9, $0x20;
	s3 =	sshrl.u32 s3, $0x3;
	s4 =	sadd.s32 s2, s4  }
0x103: {  	[hbm:s4], [sflag:s5] =	dma.local [spmem:s30], $0x800  }
.Ltmp2:
0x104: {  	s3 =	sadd.s32 s2, s3;
	s4 =	sadd.s32 $0x800, s4;
	(pc) =	sbr.rel @p0 .LBB2_2-.Ltmp2, $4  }
0x105: {  	[hbm:s4], [sflag:s5] =	dma.local [spmem:s31], $0x800  }
0x106: {  	[hbm:s3], [sflag:s5] =	dma.local [spmem:s0], $0x800  }
0x107: {  	s19 =	sadd.s32 $0x1, s19;
	s18 =	sadd.s32 $0x1, s18;
	s3 =	sadd.s32 $0x800, s3  }
0x108: {  	[hbm:s3], [sflag:s5] =	dma.local [spmem:s1], $0x800  }
0x109: {  	s4 =	simm.s32 $0x1  }
0x10a: {  	_ =	swait.ge [sflag:s4], $0x800  }
0x10b: {  	[sflag:s4] =	ssyncset.done $0x0  }
0x10c: {  	[sflag:s4] =	ssyncadd.s32 $0xFFFFF800  }
0x10d: {  	_ =	swait.ge [sflag:s4], $0x800  }
0x10e: {  	[sflag:s4] =	ssyncset.done $0x0  }
0x10f: {  	[sflag:s4] =	ssyncadd.s32 $0xFFFFF800  }
0x110: {  	_ =	swait.ge [sflag:s4], $0x800  }
0x111: {  	[sflag:s4] =	ssyncset.done $0x0  }
0x112: {  	[sflag:s4] =	ssyncadd.s32 $0xFFFFF800  }
0x113: {  	_ =	swait.ge [sflag:s4], $0x800  }
0x114: {  	[sflag:s4] =	ssyncset.done $0x0  }
0x115: {  	[sflag:s4] =	ssyncadd.s32 $0xFFFFF800  }
0x116: {  	_ =	swait.ge [sflag:s4], $0x800  }
0x117: {  	[sflag:s4] =	ssyncset.done $0x0  }
0x118: {  	[sflag:s4] =	ssyncadd.s32 $0xFFFFF800  }
0x119: {  	_ =	swait.ge [sflag:s4], $0x800  }
0x11a: {  	[sflag:s4] =	ssyncset.done $0x0  }
0x11b: {  	[sflag:s4] =	ssyncadd.s32 $0xFFFFF800  }
0x11c: {  	_ =	swait.ge [sflag:s4], $0x800  }
0x11d: {  	[sflag:s4] =	ssyncset.done $0x0  }
0x11e: {  	[sflag:s4] =	ssyncadd.s32 $0xFFFFF800  }
0x11f: {  	_ =	swait.ge [sflag:s4], $0x800  }
0x120: {  	[sflag:s4] =	ssyncset.done $0x0  }
0x121: {  	[sflag:s4] =	ssyncadd.s32 $0xFFFFF800  }
0x122: {  	_ =	swait.ge [sflag:s4], $0x800  }
0x123: {  	[sflag:s4] =	ssyncset.done $0x0  }
0x124: {  	[sflag:s4] =	ssyncadd.s32 $0xFFFFF800  }
0x125: {  	_ =	swait.ge [sflag:s4], $0x800  }
0x126: {  	[sflag:s4] =	ssyncset.done $0x0  }
0x127: {  	[sflag:s4] =	ssyncadd.s32 $0xFFFFF800  }
0x128: {  	_ =	swait.ge [sflag:s4], $0x800  }
0x129: {  	[sflag:s4] =	ssyncset.done $0x0  }
0x12a: {  	[sflag:s4] =	ssyncadd.s32 $0xFFFFF800  }
0x12b: {  	_ =	swait.ge [sflag:s4], $0x800  }
0x12c: {  	[sflag:s4] =	ssyncset.done $0x0  }
0x12d: {  	[sflag:s4] =	ssyncadd.s32 $0xFFFFF800  }
0x12e: {  	_ =	swait.ge [sflag:s4], $0x800  }
0x12f: {  	[sflag:s4] =	ssyncset.done $0x0  }
0x130: {  	[sflag:s4] =	ssyncadd.s32 $0xFFFFF800  }
0x131: {  	_ =	swait.ge [sflag:s4], $0x800  }
0x132: {  	[sflag:s4] =	ssyncset.done $0x0  }
0x133: {  	[sflag:s4] =	ssyncadd.s32 $0xFFFFF800  }
0x134: {  	_ =	swait.ge [sflag:s4], $0x800  }
0x135: {  	[sflag:s4] =	ssyncset.done $0x0  }
0x136: {  	[sflag:s4] =	ssyncadd.s32 $0xFFFFF800  }
0x137: {  	_ =	swait.ge [sflag:s4], $0x800  }
0x138: {  	s5 =	rddreg [dreg:$0x1b]  }
0x139: {  	s3 =	rddreg [dreg:$0x6];
	s5 =	sadd.s32 $0x1, s5  }
0x13a: {  	p0 =	sne.s32 s5, s3  }
.Ltmp3:
0x13b: {  	_ = 	snop;
	(pc) =	sbr.rel @p0 .LBB2_1-.Ltmp3, $3  }
0x13c: {  	_ =	sdelay $0x1  }
0x13d: {  	[sflag:s4] =	ssyncset.done $0x0  }
0x13e: {  	[sflag:s4] =	ssyncadd.s32 $0xFFFFF800  }
0x13f: {  	_ =	sfence.sel $0x180000  }
0x140: {  	[bflag:$0x0] =	sbarrier.arrive $0xFFFF  }
0x141: {  	_ =	strace $0x90000047  }
0x142: {  	s0 =	stileid.u32;
	[bflag:$0x2] =	sbarrier.arrive $0xFFFF  }
0x143: {  	p0 =	sne.s32 s0, $0x0;
	s0 =	rddreg [dreg:$0x3]  }
0x144: {  	s0 =	sadd.s32 @!p0 $0x100000, s0  }
0x145: {  	[sflag:s0] =	ssyncadd.tile.s32 @!p0 $0x1;
	_ =	shalt  }
.Lfunc_end2:
_tile_overlayer_lowered:
.L_overlay_start_2:
0x146: {  	(tag) =	ssettag $0x2  }
0x147: {  	s0 =	rddreg [dreg:$0x0];
	s2 =	stileid.u32  }
0x148: {  	s1 =	rddreg [dreg:$0x1];
	p0 =	sne.s32 s2, $0x0  }
0x149: {  	s3 =	rddreg [dreg:$0x2];
	[bflag:$0x3] =	sbarrier.arrive $0xFFFF;
	s2 =	simm.s32 @!p0 $0x1C02  }
0x14a: {  	[timem:s3], [sflag:s2] =	dma.local @!p0 [hbm:s0], s1  }
0x14b: {  	s0 =	simm.s32 @!p0 $0x2  }
0x14c: {  	_ =	swait.ge @!p0 [sflag:s0], s1  }
0x14d: {  	s1 =	ssub.s32 @!p0 $0x0, s1;
	[sflag:s0] =	ssyncset.done @!p0 $0x0  }
0x14e: {  	[sflag:s0] =	ssyncadd.s32 @!p0 s1  }
0x14f: {  	[bflag:$0x3] =	sbarrier.arrive $0xFFFF  }
0x150: {  	_ =	shalt  }

</sc_bundles>
